<compile_context>
chip_gen: v7x
topology: tpu7x:2x2x1
jax: 0.10.2.dev20260603
libtpu: 0.0.44.dev20260713+nightly
codegen_flags: <defaults>
</compile_context>

<pallas_src>
import jax
import jax.numpy as jnp
from jax import lax
from jax.experimental import pallas as pl
from jax.experimental.pallas import tpu as pltpu
from jax.experimental.pallas import tpu_sc as plsc

N_NODES = 10000
D = 128
T = 4
TAU = 2.0
V_TH = 1.0
DELTA = 0.05
STEP_SIZE = 0.1

NC = 2
NS = 16
NW = NC * NS

N_PAD = 10240
ROWS_PER_SUB = N_PAD // NS

CHUNK = 128
K_DEG = 8


def _sc_mesh():
    return plsc.VectorSubcoreMesh(core_axis_name="c", subcore_axis_name="s")


def _deg_body(dst_hbm, out_hbm, didx_v, ones_v, zbuf_v, sem_s, acc_sh):
    cid = lax.axis_index("c")
    sid = lax.axis_index("s")
    wid = cid * NS + sid
    n_rows = dst_hbm.shape[0] // NW
    n_groups = n_rows // K_DEG

    for i in range(CHUNK // 16):
        ones_v[pl.ds(i * 16, 16)] = jnp.full((16,), 1.0, jnp.float32)
    for i in range(ROWS_PER_SUB // 16):
        zbuf_v[pl.ds(i * 16, 16)] = jnp.zeros((16,), jnp.float32)

    row0 = sid * ROWS_PER_SUB
    pltpu.sync_copy(zbuf_v, acc_sh.at[pl.ds(row0, ROWS_PER_SUB)])
    pltpu.sync_copy(dst_hbm.at[pl.ds(wid * n_rows, n_rows), :], didx_v)
    plsc.subcore_barrier()

    def group(g, carry):
        base = g * K_DEG
        for b in range(K_DEG):
            pltpu.async_copy(ones_v, acc_sh.at[didx_v.at[base + b]],
                             sem_s, add=True)
        for b in range(K_DEG):
            pltpu.make_async_copy(ones_v, acc_sh.at[didx_v.at[base + b]],
                                  sem_s).wait()
        return carry

    lax.fori_loop(0, n_groups, group, 0)
    plsc.subcore_barrier()

    pltpu.sync_copy(acc_sh.at[pl.ds(row0, ROWS_PER_SUB)],
                    out_hbm.at[pl.ds(cid * N_PAD + row0, ROWS_PER_SUB)])


def _deg_counts(dst2d):
    n_rows_w = dst2d.shape[0] // NW
    kfn = pl.kernel(
        _deg_body,
        out_type=jax.ShapeDtypeStruct((NC * N_PAD,), jnp.float32),
        mesh=_sc_mesh(),
        scratch_types=[
            pltpu.VMEM((n_rows_w, CHUNK), jnp.int32),
            pltpu.VMEM((CHUNK,), jnp.float32),
            pltpu.VMEM((ROWS_PER_SUB,), jnp.float32),
            pltpu.SemaphoreType.DMA,
            pltpu.VMEM_SHARED((N_PAD,), jnp.float32),
        ],
    )
    return kfn(dst2d).reshape(NC, N_PAD)[:, :, None]


AGG_CHUNK = 80


def _agg_body(src_hbm, dst_hbm, xs_hbm, zeros_hbm, out_hbm,
              sidx_v, didx_v, rows_v, sem, sem_i, sem_s, acc_sh):
    cid = lax.axis_index("c")
    sid = lax.axis_index("s")
    wid = cid * NS + sid
    e_per_w = src_hbm.shape[0] // NW
    n_chunks = e_per_w // AGG_CHUNK

    row0 = sid * ROWS_PER_SUB
    pltpu.sync_copy(zeros_hbm.at[pl.ds(row0, ROWS_PER_SUB), :],
                    acc_sh.at[pl.ds(row0, ROWS_PER_SUB), :])
    plsc.subcore_barrier()

    base = wid * e_per_w

    pltpu.sync_copy(src_hbm.at[pl.ds(base, AGG_CHUNK)], sidx_v.at[0])
    pltpu.sync_copy(dst_hbm.at[pl.ds(base, AGG_CHUNK)], didx_v.at[0])
    pltpu.async_copy(xs_hbm.at[sidx_v.at[0]], rows_v.at[0], sem)
    pltpu.async_copy(src_hbm.at[pl.ds(base + AGG_CHUNK, AGG_CHUNK)],
                     sidx_v.at[1], sem_i)
    pltpu.async_copy(dst_hbm.at[pl.ds(base + AGG_CHUNK, AGG_CHUNK)],
                     didx_v.at[1], sem_i)

    def _drain_s():
        pltpu.make_async_copy(rows_v.at[0], acc_sh.at[didx_v.at[0]],
                              sem_s).wait()

    def chunk(c, carry):
        @pl.when(c >= 2)
        def _():
            _drain_s()

        @pl.when(c + 1 < n_chunks)
        def _():
            pltpu.make_async_copy(src_hbm.at[pl.ds(base, AGG_CHUNK)],
                                  sidx_v.at[0], sem_i).wait()
            pltpu.make_async_copy(src_hbm.at[pl.ds(base, AGG_CHUNK)],
                                  didx_v.at[0], sem_i).wait()
            pltpu.async_copy(xs_hbm.at[sidx_v.at[lax.rem(c + 1, 4)]],
                             rows_v.at[lax.rem(c + 1, 3)], sem)

        pltpu.make_async_copy(xs_hbm.at[sidx_v.at[0]], rows_v.at[0],
                              sem).wait()
        pltpu.async_copy(rows_v.at[lax.rem(c, 3)],
                         acc_sh.at[didx_v.at[lax.rem(c, 4)]],
                         sem_s, add=True)

        @pl.when(c + 2 < n_chunks)
        def _():
            off = base + (c + 2) * AGG_CHUNK
            slot = lax.rem(c + 2, 4)
            pltpu.async_copy(src_hbm.at[pl.ds(off, AGG_CHUNK)],
                             sidx_v.at[slot], sem_i)
            pltpu.async_copy(dst_hbm.at[pl.ds(off, AGG_CHUNK)],
                             didx_v.at[slot], sem_i)

        return carry

    lax.fori_loop(0, n_chunks, chunk, 0)
    _drain_s()
    _drain_s()
    plsc.subcore_barrier()

    pltpu.sync_copy(acc_sh.at[pl.ds(row0, ROWS_PER_SUB), :],
                    out_hbm.at[cid, pl.ds(row0, ROWS_PER_SUB), :])


def _aggregate(src, dst, xs):
    kfn = pl.kernel(
        _agg_body,
        out_type=jax.ShapeDtypeStruct((NC, N_PAD, D), jnp.float32),
        mesh=_sc_mesh(),
        scratch_types=[
            pltpu.VMEM((4, AGG_CHUNK), jnp.int32),
            pltpu.VMEM((4, AGG_CHUNK), jnp.int32),
            pltpu.VMEM((3, AGG_CHUNK, D), jnp.float32),
            pltpu.SemaphoreType.DMA,
            pltpu.SemaphoreType.DMA,
            pltpu.SemaphoreType.DMA,
            pltpu.VMEM_SHARED((N_PAD, D), jnp.float32),
        ],
    )
    zeros = jnp.zeros((N_PAD, D), jnp.float32)
    return kfn(src, dst, xs, zeros)


def _scale_body(x_ref, degp_ref, xs_ref):
    deg = 1.0 + degp_ref[0, :, 0:1] + degp_ref[1, :, 0:1]
    dinv = lax.rsqrt(deg)
    xs_ref[...] = x_ref[...] * dinv


def _scale(x, degp, rows):
    grid = (N_NODES // rows,)
    return pl.pallas_call(
        _scale_body,
        grid=grid,
        in_specs=[
            pl.BlockSpec((rows, D), lambda i: (i, 0)),
            pl.BlockSpec((NC, rows, 1), lambda i: (0, i, 0)),
        ],
        out_specs=pl.BlockSpec((rows, D), lambda i: (i, 0)),
        out_shape=jax.ShapeDtypeStruct((N_NODES, D), jnp.float32),
    )(x, degp)


def _final_body(aggp_ref, x_ref, degp_ref, w_ref, o_ref, z_ref):
    deg = 1.0 + degp_ref[0, :, 0:1] + degp_ref[1, :, 0:1]
    dinv = lax.rsqrt(deg)
    agg = aggp_ref[0] + aggp_ref[1]
    u = dinv * agg + (dinv * dinv) * x_ref[...]
    h = jnp.dot(u, w_ref[...], preferred_element_type=jnp.float32)

    dx = h * STEP_SIZE
    v = jnp.zeros_like(h)
    z = jnp.zeros_like(h)
    for t in range(T):
        v = v + (h - v) * (1.0 / TAU)
        o = (v >= V_TH).astype(jnp.float32)
        v = v - o * (V_TH - DELTA)
        z = z + dx * o
        o_ref[t] = o
        z_ref[t] = z


def _final(aggp, x, degp, W, rows):
    grid = (N_NODES // rows,)
    out_shape = jax.ShapeDtypeStruct((T, N_NODES, D), jnp.float32)
    return pl.pallas_call(
        _final_body,
        grid=grid,
        in_specs=[
            pl.BlockSpec((NC, rows, D), lambda i: (0, i, 0)),
            pl.BlockSpec((rows, D), lambda i: (i, 0)),
            pl.BlockSpec((NC, rows, 1), lambda i: (0, i, 0)),
            pl.BlockSpec((D, D), lambda i: (0, 0)),
        ],
        out_specs=[
            pl.BlockSpec((T, rows, D), lambda i: (0, i, 0)),
            pl.BlockSpec((T, rows, D), lambda i: (0, i, 0)),
        ],
        out_shape=[out_shape, out_shape],
    )(aggp, x, degp, W)


def kernel(x, edge_index, W):
    src = edge_index[0].astype(jnp.int32)
    dst = edge_index[1].astype(jnp.int32)

    e = src.shape[0]
    rows_w = -(-e // (NW * CHUNK * K_DEG)) * K_DEG
    e_pad = NW * rows_w * CHUNK
    pad = e_pad - e
    dummy = N_NODES + (jnp.arange(pad, dtype=jnp.int32) % (N_PAD - N_NODES))
    dst2d = jnp.concatenate([dst, dummy]).reshape(-1, CHUNK)

    degp = _deg_counts(dst2d)
    xs = _scale(x, degp, rows=1000)
    aggp = _aggregate(src, dst, xs)
    o_seq, z_seq = _final(aggp, x, degp, W, rows=1000)
    return (o_seq, z_seq)

# --- scband reference (transcript-rebuilt; emitter-appended) ---
"""Pipeline reference for scband-rsencoder-layer-23416161697928 (READ-ONLY COPY).

The authoritative reference and input builder live on the scoring server;
editing this copy changes nothing except your own understanding.
"""

import jax, jax.numpy as jnp
import numpy as np

N_NODES = 10000
N_EDGES = 320000
D_IN = 128
D_OUT = 128
T = 4
TAU = 2.0
V_TH = 1.0
DELTA = 0.05
STEP_SIZE = 0.1


def setup_inputs(seed: int = 0) -> dict:
    key = jax.random.key(seed)
    k1, k2, k3 = jax.random.split(key, 3)
    x = jax.random.normal(k1, (N_NODES, D_IN), dtype=jnp.float32)
    edge_index = jax.random.randint(k2, (2, N_EDGES), 0, N_NODES, dtype=jnp.int64)
    # GCNConv weight (bias=False): lin maps in_dim -> out_dim
    W = jax.random.normal(k3, (D_IN, D_OUT), dtype=jnp.float32) * 0.05
    return {"x": x, "edge_index": edge_index, "W": W}


def _gcn_conv(x, edge_index, W, n_nodes):
    # PyG GCNConv (bias=False): add self-loops, symmetric normalization, aggregate.
    h = x @ W
    src = edge_index[0]
    dst = edge_index[1]
    loop = jnp.arange(n_nodes, dtype=src.dtype)
    src = jnp.concatenate([src, loop])
    dst = jnp.concatenate([dst, loop])
    ones = jnp.ones(src.shape[0], dtype=h.dtype)
    deg = jax.ops.segment_sum(ones, dst, num_segments=n_nodes)
    dinv = jnp.where(deg > 0, jax.lax.rsqrt(jnp.maximum(deg, 1e-12)), 0.0)
    norm = dinv[src] * dinv[dst]
    msg = jnp.take(h, src, axis=0) * norm[:, None]
    out = jax.ops.segment_sum(msg, dst, num_segments=n_nodes)
    return out


def reference(x, edge_index, W):
    # eval mode: DropEdge(p)[training=False] is identity; nn.Dropout is identity.
    h = _gcn_conv(x, edge_index, W, N_NODES)
    # manifold.origin -> zeros (Euclidean manifold origin)
    z0 = jnp.zeros_like(h)
    v0 = jnp.zeros_like(h)
    dx = h * STEP_SIZE

    def step(carry, _):
        v, z = carry
        # LIF charge dynamics: v += (input - v) / tau
        v = v + (h - v) / TAU
        o = (v >= V_TH).astype(h.dtype)
        # soft reset with delta margin
        v = v - o * (V_TH - DELTA)
        # Riemannian (Euclidean) step of size step_size in spiking direction
        z = z + dx * o
        return (v, z), (o, z)

    (_, _), (o_seq, z_seq) = jax.lax.scan(step, (v0, z0), None, length=T)
    return (o_seq, z_seq)

if __name__ == "__main__":
    import jax
    _d = setup_inputs()
    print(jax.jit(kernel)(*tuple(_d.values())))

</pallas_src>

<mosaic_0001>
#map = affine_map<(d0, d1) -> (0)>
#map1 = affine_map<(d0, d1) -> (0, 0)>
#map2 = affine_map<(d0, d1) -> (0, 0, 0)>
module attributes {stable_mosaic.version = 14 : i64} {
  func.func @_agg_body(%arg0: i32, %arg1: i32, %arg2: memref<320000xi32, #tpu.memory_space<hbm>>, %arg3: memref<320000xi32, #tpu.memory_space<hbm>>, %arg4: memref<10000x128xf32, #tpu.memory_space<hbm>>, %arg5: memref<10240x128xf32, #tpu.memory_space<hbm>>, %arg6: memref<2x10240x128xf32, #tpu.memory_space<hbm>>, %arg7: memref<4x80xi32, #tpu.memory_space<vmem>>, %arg8: memref<4x80xi32, #tpu.memory_space<vmem>>, %arg9: memref<3x80x128xf32, #tpu.memory_space<vmem>>, %arg10: memref<!tpu.dma_semaphore, #tpu.memory_space<semaphore_mem>>, %arg11: memref<!tpu.dma_semaphore, #tpu.memory_space<semaphore_mem>>, %arg12: memref<!tpu.dma_semaphore, #tpu.memory_space<semaphore_mem>>, %arg13: memref<10240x128xf32, #tpu.memory_space<vmem_shared>>) attributes {dimension_semantics = [#tpu.dimension_semantics<core_parallel>, #tpu.dimension_semantics<subcore_parallel>], iteration_bounds = array<i64: 2, 16>, scalar_prefetch = 0 : i64, scratch_operands = 7 : i64, tpu.core_type = #tpu.core_type<sc_vector_subcore>, window_params = [{transform_indices = #map}, {transform_indices = #map}, {transform_indices = #map1}, {transform_indices = #map1}, {transform_indices = #map2}]} {
    %mul3A = arith.constant 16 : i32
    %mul3A_0 = arith.muli %arg0, %mul3A : i32
    %add3A = arith.addi %mul3A_0, %arg1 : i32
    %mul3A_1 = arith.constant 640 : i32
    %mul3A_2 = arith.muli %arg1, %mul3A_1 : i32
    "tpu.region"() ({
      %run_scoped3A_68 = tpu.sem_alloc : memref<!tpu.dma_semaphore, #tpu.memory_space<semaphore_mem>>
      %dma_start3A_69 = arith.constant 0 : i32
      %dma_start3A_70 = tpu.memref_slice %arg13[%mul3A_2, %dma_start3A_69] : memref<10240x128xf32, #tpu.memory_space<vmem_shared>> -> memref<640x128xf32, #tpu.memory_space<vmem_shared>>
      %dma_start3A_71 = arith.constant 0 : i32
      %dma_start3A_72 = tpu.memref_slice %arg5[%mul3A_2, %dma_start3A_71] : memref<10240x128xf32, #tpu.memory_space<hbm>> -> memref<640x128xf32, #tpu.memory_space<hbm>>
      tpu.enqueue_dma source(%dma_start3A_72 : memref<640x128xf32, #tpu.memory_space<hbm>>) target(%dma_start3A_70 : memref<640x128xf32, #tpu.memory_space<vmem_shared>>) target_semaphore(%run_scoped3A_68 : memref<!tpu.dma_semaphore, #tpu.memory_space<semaphore_mem>>)
      %dma_wait3A_73 = arith.constant 0 : i32
      %dma_wait3A_74 = tpu.memref_slice %arg13[%mul3A_2, %dma_wait3A_73] : memref<10240x128xf32, #tpu.memory_space<vmem_shared>> -> memref<640x128xf32, #tpu.memory_space<vmem_shared>>
      %dma_wait3A_75 = arith.constant 0 : i32
      %dma_wait3A_76 = tpu.memref_slice %arg5[%mul3A_2, %dma_wait3A_75] : memref<10240x128xf32, #tpu.memory_space<hbm>> -> memref<640x128xf32, #tpu.memory_space<hbm>>
      tpu.wait_dma2 semaphore(%run_scoped3A_68 : memref<!tpu.dma_semaphore, #tpu.memory_space<semaphore_mem>>) src(%dma_wait3A_76 : memref<640x128xf32, #tpu.memory_space<hbm>>) dst(%dma_wait3A_74 : memref<640x128xf32, #tpu.memory_space<vmem_shared>>)
      tpu.yield
    }) : () -> ()
    %barrier3A = arith.constant 0 : index
    tpu.barrier barrier_id(%barrier3A)
    %mul3A_3 = arith.constant 10000 : i32
    %mul3A_4 = arith.muli %add3A, %mul3A_3 : i32
    %run_scoped3A = arith.constant 0 : i32
    "tpu.region"() ({
      %run_scoped3A_68 = tpu.sem_alloc : memref<!tpu.dma_semaphore, #tpu.memory_space<semaphore_mem>>
      %dma_start3A_69 = arith.constant 0 : i32
      %dma_start3A_70 = tpu.memref_slice %arg7[%run_scoped3A, %dma_start3A_69] : memref<4x80xi32, #tpu.memory_space<vmem>> -> memref<1x80xi32, #tpu.memory_space<vmem>>
      %dma_start3A_71 = tpu.memref_squeeze %dma_start3A_70 : memref<1x80xi32, #tpu.memory_space<vmem>> -> memref<80xi32, #tpu.memory_space<vmem>>
      %dma_start3A_72 = tpu.memref_slice %arg2[%mul3A_4] : memref<320000xi32, #tpu.memory_space<hbm>> -> memref<80xi32, #tpu.memory_space<hbm>>
      %dma_start3A_73 = arith.constant 0 : i32
      %dma_start3A_74 = tpu.memref_slice %arg7[%run_scoped3A, %dma_start3A_73] : memref<4x80xi32, #tpu.memory_space<vmem>> -> memref<1x80xi32, #tpu.memory_space<vmem>>
      %dma_start3A_75 = tpu.memref_squeeze %dma_start3A_74 : memref<1x80xi32, #tpu.memory_space<vmem>> -> memref<80xi32, #tpu.memory_space<vmem>>
      %dma_start3A_76 = tpu.memref_slice %arg2[%mul3A_4] : memref<320000xi32, #tpu.memory_space<hbm>> -> memref<80xi32, #tpu.memory_space<hbm>>
      tpu.enqueue_dma source(%dma_start3A_76 : memref<80xi32, #tpu.memory_space<hbm>>) target(%dma_start3A_75 : memref<80xi32, #tpu.memory_space<vmem>>) target_semaphore(%run_scoped3A_68 : memref<!tpu.dma_semaphore, #tpu.memory_space<semaphore_mem>>)
      %dma_wait3A_77 = arith.constant 0 : i32
      %dma_wait3A_78 = tpu.memref_slice %arg7[%run_scoped3A, %dma_wait3A_77] : memref<4x80xi32, #tpu.memory_space<vmem>> -> memref<1x80xi32, #tpu.memory_space<vmem>>
      %dma_wait3A_79 = tpu.memref_squeeze %dma_wait3A_78 : memref<1x80xi32, #tpu.memory_space<vmem>> -> memref<80xi32, #tpu.memory_space<vmem>>
      %dma_wait3A_80 = tpu.memref_slice %arg2[%mul3A_4] : memref<320000xi32, #tpu.memory_space<hbm>> -> memref<80xi32, #tpu.memory_space<hbm>>
      %dma_wait3A_81 = arith.constant 0 : i32
      %dma_wait3A_82 = tpu.memref_slice %arg7[%run_scoped3A, %dma_wait3A_81] : memref<4x80xi32, #tpu.memory_space<vmem>> -> memref<1x80xi32, #tpu.memory_space<vmem>>
      %dma_wait3A_83 = tpu.memref_squeeze %dma_wait3A_82 : memref<1x80xi32, #tpu.memory_space<vmem>> -> memref<80xi32, #tpu.memory_space<vmem>>
      %dma_wait3A_84 = tpu.memref_slice %arg2[%mul3A_4] : memref<320000xi32, #tpu.memory_space<hbm>> -> memref<80xi32, #tpu.memory_space<hbm>>
      tpu.wait_dma2 semaphore(%run_scoped3A_68 : memref<!tpu.dma_semaphore, #tpu.memory_space<semaphore_mem>>) src(%dma_wait3A_84 : memref<80xi32, #tpu.memory_space<hbm>>) dst(%dma_wait3A_83 : memref<80xi32, #tpu.memory_space<vmem>>)
      tpu.yield
    }) : () -> ()
    %run_scoped3A_5 = arith.constant 0 : i32
    "tpu.region"() ({
      %run_scoped3A_68 = tpu.sem_alloc : memref<!tpu.dma_semaphore, #tpu.memory_space<semaphore_mem>>
      %dma_start3A_69 = arith.constant 0 : i32
      %dma_start3A_70 = tpu.memref_slice %arg8[%run_scoped3A_5, %dma_start3A_69] : memref<4x80xi32, #tpu.memory_space<vmem>> -> memref<1x80xi32, #tpu.memory_space<vmem>>
      %dma_start3A_71 = tpu.memref_squeeze %dma_start3A_70 : memref<1x80xi32, #tpu.memory_space<vmem>> -> memref<80xi32, #tpu.memory_space<vmem>>
      %dma_start3A_72 = tpu.memref_slice %arg3[%mul3A_4] : memref<320000xi32, #tpu.memory_space<hbm>> -> memref<80xi32, #tpu.memory_space<hbm>>
      %dma_start3A_73 = arith.constant 0 : i32
      %dma_start3A_74 = tpu.memref_slice %arg8[%run_scoped3A_5, %dma_start3A_73] : memref<4x80xi32, #tpu.memory_space<vmem>> -> memref<1x80xi32, #tpu.memory_space<vmem>>
      %dma_start3A_75 = tpu.memref_squeeze %dma_start3A_74 : memref<1x80xi32, #tpu.memory_space<vmem>> -> memref<80xi32, #tpu.memory_space<vmem>>
      %dma_start3A_76 = tpu.memref_slice %arg3[%mul3A_4] : memref<320000xi32, #tpu.memory_space<hbm>> -> memref<80xi32, #tpu.memory_space<hbm>>
      tpu.enqueue_dma source(%dma_start3A_76 : memref<80xi32, #tpu.memory_space<hbm>>) target(%dma_start3A_75 : memref<80xi32, #tpu.memory_space<vmem>>) target_semaphore(%run_scoped3A_68 : memref<!tpu.dma_semaphore, #tpu.memory_space<semaphore_mem>>)
      %dma_wait3A_77 = arith.constant 0 : i32
      %dma_wait3A_78 = tpu.memref_slice %arg8[%run_scoped3A_5, %dma_wait3A_77] : memref<4x80xi32, #tpu.memory_space<vmem>> -> memref<1x80xi32, #tpu.memory_space<vmem>>
      %dma_wait3A_79 = tpu.memref_squeeze %dma_wait3A_78 : memref<1x80xi32, #tpu.memory_space<vmem>> -> memref<80xi32, #tpu.memory_space<vmem>>
      %dma_wait3A_80 = tpu.memref_slice %arg3[%mul3A_4] : memref<320000xi32, #tpu.memory_space<hbm>> -> memref<80xi32, #tpu.memory_space<hbm>>
      %dma_wait3A_81 = arith.constant 0 : i32
      %dma_wait3A_82 = tpu.memref_slice %arg8[%run_scoped3A_5, %dma_wait3A_81] : memref<4x80xi32, #tpu.memory_space<vmem>> -> memref<1x80xi32, #tpu.memory_space<vmem>>
      %dma_wait3A_83 = tpu.memref_squeeze %dma_wait3A_82 : memref<1x80xi32, #tpu.memory_space<vmem>> -> memref<80xi32, #tpu.memory_space<vmem>>
      %dma_wait3A_84 = tpu.memref_slice %arg3[%mul3A_4] : memref<320000xi32, #tpu.memory_space<hbm>> -> memref<80xi32, #tpu.memory_space<hbm>>
      tpu.wait_dma2 semaphore(%run_scoped3A_68 : memref<!tpu.dma_semaphore, #tpu.memory_space<semaphore_mem>>) src(%dma_wait3A_84 : memref<80xi32, #tpu.memory_space<hbm>>) dst(%dma_wait3A_83 : memref<80xi32, #tpu.memory_space<vmem>>)
      tpu.yield
    }) : () -> ()
    %dma_start3A = arith.constant 0 : i32
    %dma_start3A_6 = arith.constant 0 : i32
    %dma_start3A_7 = arith.constant 0 : i32
    %dma_start3A_8 = arith.constant 0 : i32
    %dma_start3A_9 = tpu.memref_slice %arg9[%dma_start3A_6, %dma_start3A_7, %dma_start3A_8] : memref<3x80x128xf32, #tpu.memory_space<vmem>> -> memref<1x80x128xf32, #tpu.memory_space<vmem>>
    %dma_start3A_10 = tpu.memref_squeeze %dma_start3A_9 : memref<1x80x128xf32, #tpu.memory_space<vmem>> -> memref<80x128xf32, #tpu.memory_space<vmem>>
    %dma_start3A_11 = arith.constant 0 : i32
    %dma_start3A_12 = tpu.memref_slice %arg7[%dma_start3A, %dma_start3A_11] : memref<4x80xi32, #tpu.memory_space<vmem>> -> memref<1x80xi32, #tpu.memory_space<vmem>>
    %dma_start3A_13 = tpu.memref_squeeze %dma_start3A_12 : memref<1x80xi32, #tpu.memory_space<vmem>> -> memref<80xi32, #tpu.memory_space<vmem>>
    %dma_start3A_14 = arith.constant 0 : i32
    %dma_start3A_15 = arith.constant 0 : i32
    %dma_start3A_16 = tpu.memref_slice %arg4[%dma_start3A_14, %dma_start3A_15] : memref<10000x128xf32, #tpu.memory_space<hbm>> -> memref<10000x128xf32, #tpu.memory_space<hbm>>
    tpu.enqueue_indirect_dma source(%dma_start3A_16 : memref<10000x128xf32, #tpu.memory_space<hbm>>) target(%dma_start3A_10 : memref<80x128xf32, #tpu.memory_space<vmem>>) offsets(%dma_start3A_13 : memref<80xi32, #tpu.memory_space<vmem>>) semaphore(%arg10 : memref<!tpu.dma_semaphore, #tpu.memory_space<semaphore_mem>>)
    %add3A_17 = arith.constant 80 : i32
    %add3A_18 = arith.addi %mul3A_4, %add3A_17 : i32
    %dma_start3A_19 = arith.constant 1 : i32
    %dma_start3A_20 = arith.constant 0 : i32
    %dma_start3A_21 = tpu.memref_slice %arg7[%dma_start3A_19, %dma_start3A_20] : memref<4x80xi32, #tpu.memory_space<vmem>> -> memref<1x80xi32, #tpu.memory_space<vmem>>
    %dma_start3A_22 = tpu.memref_squeeze %dma_start3A_21 : memref<1x80xi32, #tpu.memory_space<vmem>> -> memref<80xi32, #tpu.memory_space<vmem>>
    %dma_start3A_23 = tpu.memref_slice %arg2[%add3A_18] : memref<320000xi32, #tpu.memory_space<hbm>> -> memref<80xi32, #tpu.memory_space<hbm>>
    %dma_start3A_24 = arith.constant 0 : i32
    %dma_start3A_25 = tpu.memref_slice %arg7[%dma_start3A_19, %dma_start3A_24] : memref<4x80xi32, #tpu.memory_space<vmem>> -> memref<1x80xi32, #tpu.memory_space<vmem>>
    %dma_start3A_26 = tpu.memref_squeeze %dma_start3A_25 : memref<1x80xi32, #tpu.memory_space<vmem>> -> memref<80xi32, #tpu.memory_space<vmem>>
    %dma_start3A_27 = tpu.memref_slice %arg2[%add3A_18] : memref<320000xi32, #tpu.memory_space<hbm>> -> memref<80xi32, #tpu.memory_space<hbm>>
    tpu.enqueue_dma source(%dma_start3A_27 : memref<80xi32, #tpu.memory_space<hbm>>) target(%dma_start3A_26 : memref<80xi32, #tpu.memory_space<vmem>>) target_semaphore(%arg11 : memref<!tpu.dma_semaphore, #tpu.memory_space<semaphore_mem>>)
    %add3A_28 = arith.constant 80 : i32
    %add3A_29 = arith.addi %mul3A_4, %add3A_28 : i32
    %dma_start3A_30 = arith.constant 1 : i32
    %dma_start3A_31 = arith.constant 0 : i32
    %dma_start3A_32 = tpu.memref_slice %arg8[%dma_start3A_30, %dma_start3A_31] : memref<4x80xi32, #tpu.memory_space<vmem>> -> memref<1x80xi32, #tpu.memory_space<vmem>>
    %dma_start3A_33 = tpu.memref_squeeze %dma_start3A_32 : memref<1x80xi32, #tpu.memory_space<vmem>> -> memref<80xi32, #tpu.memory_space<vmem>>
    %dma_start3A_34 = tpu.memref_slice %arg3[%add3A_29] : memref<320000xi32, #tpu.memory_space<hbm>> -> memref<80xi32, #tpu.memory_space<hbm>>
    %dma_start3A_35 = arith.constant 0 : i32
    %dma_start3A_36 = tpu.memref_slice %arg8[%dma_start3A_30, %dma_start3A_35] : memref<4x80xi32, #tpu.memory_space<vmem>> -> memref<1x80xi32, #tpu.memory_space<vmem>>
    %dma_start3A_37 = tpu.memref_squeeze %dma_start3A_36 : memref<1x80xi32, #tpu.memory_space<vmem>> -> memref<80xi32, #tpu.memory_space<vmem>>
    %dma_start3A_38 = tpu.memref_slice %arg3[%add3A_29] : memref<320000xi32, #tpu.memory_space<hbm>> -> memref<80xi32, #tpu.memory_space<hbm>>
    tpu.enqueue_dma source(%dma_start3A_38 : memref<80xi32, #tpu.memory_space<hbm>>) target(%dma_start3A_37 : memref<80xi32, #tpu.memory_space<vmem>>) target_semaphore(%arg11 : memref<!tpu.dma_semaphore, #tpu.memory_space<semaphore_mem>>)
    %scan3A = arith.constant 0 : i32
    %scan3A_39 = arith.constant 0 : i32
    %scan3A_40 = arith.constant 125 : i32
    %scan3A_41 = arith.addi %scan3A_39, %scan3A_40 : i32
    %scan3A_42 = arith.constant 1 : i32
    scf.for %scan3A_68 = %scan3A_39 to %scan3A_41 step %scan3A_42  : i32 {
      %ge3A = arith.constant 2 : i32
      %ge3A_69 = arith.cmpi sge, %scan3A_68, %ge3A : i32
      %convert_element_type3A = arith.extui %ge3A_69 : i1 to i32
      %cond3A = arith.constant 0 : i32
      %cond3A_70 = arith.cmpi ne, %convert_element_type3A, %cond3A : i32
      scf.if %cond3A_70 {
        %dma_wait3A_109 = arith.constant 0 : i32
        %dma_wait3A_110 = arith.constant 0 : i32
        %dma_wait3A_111 = arith.constant 0 : i32
        %dma_wait3A_112 = arith.constant 0 : i32
        %dma_wait3A_113 = tpu.memref_slice %arg9[%dma_wait3A_109, %dma_wait3A_111, %dma_wait3A_112] : memref<3x80x128xf32, #tpu.memory_space<vmem>> -> memref<1x80x128xf32, #tpu.memory_space<vmem>>
        %dma_wait3A_114 = tpu.memref_squeeze %dma_wait3A_113 : memref<1x80x128xf32, #tpu.memory_space<vmem>> -> memref<80x128xf32, #tpu.memory_space<vmem>>
        %dma_wait3A_115 = arith.constant 0 : i32
        %dma_wait3A_116 = tpu.memref_slice %arg8[%dma_wait3A_110, %dma_wait3A_115] : memref<4x80xi32, #tpu.memory_space<vmem>> -> memref<1x80xi32, #tpu.memory_space<vmem>>
        %dma_wait3A_117 = tpu.memref_squeeze %dma_wait3A_116 : memref<1x80xi32, #tpu.memory_space<vmem>> -> memref<80xi32, #tpu.memory_space<vmem>>
        %dma_wait3A_118 = arith.constant 0 : i32
        %dma_wait3A_119 = arith.constant 0 : i32
        %dma_wait3A_120 = tpu.memref_slice %arg13[%dma_wait3A_118, %dma_wait3A_119] : memref<10240x128xf32, #tpu.memory_space<vmem_shared>> -> memref<10240x128xf32, #tpu.memory_space<vmem_shared>>
        tpu.wait_indirect_dma semaphore(%arg12 : memref<!tpu.dma_semaphore, #tpu.memory_space<semaphore_mem>>) src(%dma_wait3A_114 : memref<80x128xf32, #tpu.memory_space<vmem>>) dst(%dma_wait3A_120 : memref<10240x128xf32, #tpu.memory_space<vmem_shared>>)
      } else {
      }
      %add3A_71 = arith.constant 1 : i32
      %add3A_72 = arith.addi %scan3A_68, %add3A_71 : i32
      %lt3A = arith.constant 125 : i32
      %lt3A_73 = arith.cmpi slt, %add3A_72, %lt3A : i32
      %convert_element_type3A_74 = arith.extui %lt3A_73 : i1 to i32
      %cond3A_75 = arith.constant 0 : i32
      %cond3A_76 = arith.cmpi ne, %convert_element_type3A_74, %cond3A_75 : i32
      scf.if %cond3A_76 {
        %dma_wait3A_109 = arith.constant 0 : i32
        %dma_wait3A_110 = arith.constant 0 : i32
        %dma_wait3A_111 = tpu.memref_slice %arg7[%dma_wait3A_109, %dma_wait3A_110] : memref<4x80xi32, #tpu.memory_space<vmem>> -> memref<1x80xi32, #tpu.memory_space<vmem>>
        %dma_wait3A_112 = tpu.memref_squeeze %dma_wait3A_111 : memref<1x80xi32, #tpu.memory_space<vmem>> -> memref<80xi32, #tpu.memory_space<vmem>>
        %dma_wait3A_113 = tpu.memref_slice %arg2[%mul3A_4] : memref<320000xi32, #tpu.memory_space<hbm>> -> memref<80xi32, #tpu.memory_space<hbm>>
        %dma_wait3A_114 = arith.constant 0 : i32
        %dma_wait3A_115 = tpu.memref_slice %arg7[%dma_wait3A_109, %dma_wait3A_114] : memref<4x80xi32, #tpu.memory_space<vmem>> -> memref<1x80xi32, #tpu.memory_space<vmem>>
        %dma_wait3A_116 = tpu.memref_squeeze %dma_wait3A_115 : memref<1x80xi32, #tpu.memory_space<vmem>> -> memref<80xi32, #tpu.memory_space<vmem>>
        %dma_wait3A_117 = tpu.memref_slice %arg2[%mul3A_4] : memref<320000xi32, #tpu.memory_space<hbm>> -> memref<80xi32, #tpu.memory_space<hbm>>
        tpu.wait_dma2 semaphore(%arg11 : memref<!tpu.dma_semaphore, #tpu.memory_space<semaphore_mem>>) src(%dma_wait3A_117 : memref<80xi32, #tpu.memory_space<hbm>>) dst(%dma_wait3A_116 : memref<80xi32, #tpu.memory_space<vmem>>)
        %dma_wait3A_118 = arith.constant 0 : i32
        %dma_wait3A_119 = arith.constant 0 : i32
        %dma_wait3A_120 = tpu.memref_slice %arg8[%dma_wait3A_118, %dma_wait3A_119] : memref<4x80xi32, #tpu.memory_space<vmem>> -> memref<1x80xi32, #tpu.memory_space<vmem>>
        %dma_wait3A_121 = tpu.memref_squeeze %dma_wait3A_120 : memref<1x80xi32, #tpu.memory_space<vmem>> -> memref<80xi32, #tpu.memory_space<vmem>>
        %dma_wait3A_122 = tpu.memref_slice %arg2[%mul3A_4] : memref<320000xi32, #tpu.memory_space<hbm>> -> memref<80xi32, #tpu.memory_space<hbm>>
        %dma_wait3A_123 = arith.constant 0 : i32
        %dma_wait3A_124 = tpu.memref_slice %arg8[%dma_wait3A_118, %dma_wait3A_123] : memref<4x80xi32, #tpu.memory_space<vmem>> -> memref<1x80xi32, #tpu.memory_space<vmem>>
        %dma_wait3A_125 = tpu.memref_squeeze %dma_wait3A_124 : memref<1x80xi32, #tpu.memory_space<vmem>> -> memref<80xi32, #tpu.memory_space<vmem>>
        %dma_wait3A_126 = tpu.memref_slice %arg2[%mul3A_4] : memref<320000xi32, #tpu.memory_space<hbm>> -> memref<80xi32, #tpu.memory_space<hbm>>
        tpu.wait_dma2 semaphore(%arg11 : memref<!tpu.dma_semaphore, #tpu.memory_space<semaphore_mem>>) src(%dma_wait3A_126 : memref<80xi32, #tpu.memory_space<hbm>>) dst(%dma_wait3A_125 : memref<80xi32, #tpu.memory_space<vmem>>)
        %add3A_127 = arith.constant 1 : i32
        %add3A_128 = arith.addi %scan3A_68, %add3A_127 : i32
        %rem3A_129 = arith.constant 4 : i32
        %rem3A_130 = arith.remsi %add3A_128, %rem3A_129 : i32
        %add3A_131 = arith.constant 1 : i32
        %add3A_132 = arith.addi %scan3A_68, %add3A_131 : i32
        %rem3A_133 = arith.constant 3 : i32
        %rem3A_134 = arith.remsi %add3A_132, %rem3A_133 : i32
        %dma_start3A_135 = arith.constant 0 : i32
        %dma_start3A_136 = arith.constant 0 : i32
        %dma_start3A_137 = tpu.memref_slice %arg9[%rem3A_134, %dma_start3A_135, %dma_start3A_136] : memref<3x80x128xf32, #tpu.memory_space<vmem>> -> memref<1x80x128xf32, #tpu.memory_space<vmem>>
        %dma_start3A_138 = tpu.memref_squeeze %dma_start3A_137 : memref<1x80x128xf32, #tpu.memory_space<vmem>> -> memref<80x128xf32, #tpu.memory_space<vmem>>
        %dma_start3A_139 = arith.constant 0 : i32
        %dma_start3A_140 = tpu.memref_slice %arg7[%rem3A_130, %dma_start3A_139] : memref<4x80xi32, #tpu.memory_space<vmem>> -> memref<1x80xi32, #tpu.memory_space<vmem>>
        %dma_start3A_141 = tpu.memref_squeeze %dma_start3A_140 : memref<1x80xi32, #tpu.memory_space<vmem>> -> memref<80xi32, #tpu.memory_space<vmem>>
        %dma_start3A_142 = arith.constant 0 : i32
        %dma_start3A_143 = arith.constant 0 : i32
        %dma_start3A_144 = tpu.memref_slice %arg4[%dma_start3A_142, %dma_start3A_143] : memref<10000x128xf32, #tpu.memory_space<hbm>> -> memref<10000x128xf32, #tpu.memory_space<hbm>>
        tpu.enqueue_indirect_dma source(%dma_start3A_144 : memref<10000x128xf32, #tpu.memory_space<hbm>>) target(%dma_start3A_138 : memref<80x128xf32, #tpu.memory_space<vmem>>) offsets(%dma_start3A_141 : memref<80xi32, #tpu.memory_space<vmem>>) semaphore(%arg10 : memref<!tpu.dma_semaphore, #tpu.memory_space<semaphore_mem>>)
      } else {
      }
      %dma_wait3A_77 = arith.constant 0 : i32
      %dma_wait3A_78 = arith.constant 0 : i32
      %dma_wait3A_79 = arith.constant 0 : i32
      %dma_wait3A_80 = arith.constant 0 : i32
      %dma_wait3A_81 = tpu.memref_slice %arg9[%dma_wait3A_78, %dma_wait3A_79, %dma_wait3A_80] : memref<3x80x128xf32, #tpu.memory_space<vmem>> -> memref<1x80x128xf32, #tpu.memory_space<vmem>>
      %dma_wait3A_82 = tpu.memref_squeeze %dma_wait3A_81 : memref<1x80x128xf32, #tpu.memory_space<vmem>> -> memref<80x128xf32, #tpu.memory_space<vmem>>
      %dma_wait3A_83 = arith.constant 0 : i32
      %dma_wait3A_84 = tpu.memref_slice %arg7[%dma_wait3A_77, %dma_wait3A_83] : memref<4x80xi32, #tpu.memory_space<vmem>> -> memref<1x80xi32, #tpu.memory_space<vmem>>
      %dma_wait3A_85 = tpu.memref_squeeze %dma_wait3A_84 : memref<1x80xi32, #tpu.memory_space<vmem>> -> memref<80xi32, #tpu.memory_space<vmem>>
      %dma_wait3A_86 = arith.constant 0 : i32
      %dma_wait3A_87 = arith.constant 0 : i32
      %dma_wait3A_88 = tpu.memref_slice %arg4[%dma_wait3A_86, %dma_wait3A_87] : memref<10000x128xf32, #tpu.memory_space<hbm>> -> memref<10000x128xf32, #tpu.memory_space<hbm>>
      tpu.wait_indirect_dma semaphore(%arg10 : memref<!tpu.dma_semaphore, #tpu.memory_space<semaphore_mem>>) src(%dma_wait3A_88 : memref<10000x128xf32, #tpu.memory_space<hbm>>) dst(%dma_wait3A_82 : memref<80x128xf32, #tpu.memory_space<vmem>>)
      %rem3A = arith.constant 3 : i32
      %rem3A_89 = arith.remsi %scan3A_68, %rem3A : i32
      %rem3A_90 = arith.constant 4 : i32
      %rem3A_91 = arith.remsi %scan3A_68, %rem3A_90 : i32
      %dma_start3A_92 = arith.constant 0 : i32
      %dma_start3A_93 = arith.constant 0 : i32
      %dma_start3A_94 = tpu.memref_slice %arg9[%rem3A_89, %dma_start3A_92, %dma_start3A_93] : memref<3x80x128xf32, #tpu.memory_space<vmem>> -> memref<1x80x128xf32, #tpu.memory_space<vmem>>
      %dma_start3A_95 = tpu.memref_squeeze %dma_start3A_94 : memref<1x80x128xf32, #tpu.memory_space<vmem>> -> memref<80x128xf32, #tpu.memory_space<vmem>>
      %dma_start3A_96 = arith.constant 0 : i32
      %dma_start3A_97 = tpu.memref_slice %arg8[%rem3A_91, %dma_start3A_96] : memref<4x80xi32, #tpu.memory_space<vmem>> -> memref<1x80xi32, #tpu.memory_space<vmem>>
      %dma_start3A_98 = tpu.memref_squeeze %dma_start3A_97 : memref<1x80xi32, #tpu.memory_space<vmem>> -> memref<80xi32, #tpu.memory_space<vmem>>
      %dma_start3A_99 = arith.constant 0 : i32
      %dma_start3A_100 = arith.constant 0 : i32
      %dma_start3A_101 = tpu.memref_slice %arg13[%dma_start3A_99, %dma_start3A_100] : memref<10240x128xf32, #tpu.memory_space<vmem_shared>> -> memref<10240x128xf32, #tpu.memory_space<vmem_shared>>
      tpu.enqueue_indirect_dma source(%dma_start3A_95 : memref<80x128xf32, #tpu.memory_space<vmem>>) target(%dma_start3A_101 : memref<10240x128xf32, #tpu.memory_space<vmem_shared>>) offsets(%dma_start3A_98 : memref<80xi32, #tpu.memory_space<vmem>>) semaphore(%arg12 : memref<!tpu.dma_semaphore, #tpu.memory_space<semaphore_mem>>) {add = true}
      %add3A_102 = arith.constant 2 : i32
      %add3A_103 = arith.addi %scan3A_68, %add3A_102 : i32
      %lt3A_104 = arith.constant 125 : i32
      %lt3A_105 = arith.cmpi slt, %add3A_103, %lt3A_104 : i32
      %convert_element_type3A_106 = arith.extui %lt3A_105 : i1 to i32
      %cond3A_107 = arith.constant 0 : i32
      %cond3A_108 = arith.cmpi ne, %convert_element_type3A_106, %cond3A_107 : i32
      scf.if %cond3A_108 {
        %add3A_109 = arith.constant 2 : i32
        %add3A_110 = arith.addi %scan3A_68, %add3A_109 : i32
        %mul3A_111 = arith.constant 80 : i32
        %mul3A_112 = arith.muli %add3A_110, %mul3A_111 : i32
        %add3A_113 = arith.addi %mul3A_4, %mul3A_112 : i32
        %add3A_114 = arith.constant 2 : i32
        %add3A_115 = arith.addi %scan3A_68, %add3A_114 : i32
        %rem3A_116 = arith.constant 4 : i32
        %rem3A_117 = arith.remsi %add3A_115, %rem3A_116 : i32
        %dma_start3A_118 = arith.constant 0 : i32
        %dma_start3A_119 = tpu.memref_slice %arg7[%rem3A_117, %dma_start3A_118] : memref<4x80xi32, #tpu.memory_space<vmem>> -> memref<1x80xi32, #tpu.memory_space<vmem>>
        %dma_start3A_120 = tpu.memref_squeeze %dma_start3A_119 : memref<1x80xi32, #tpu.memory_space<vmem>> -> memref<80xi32, #tpu.memory_space<vmem>>
        %dma_start3A_121 = tpu.memref_slice %arg2[%add3A_113] : memref<320000xi32, #tpu.memory_space<hbm>> -> memref<80xi32, #tpu.memory_space<hbm>>
        %dma_start3A_122 = arith.constant 0 : i32
        %dma_start3A_123 = tpu.memref_slice %arg7[%rem3A_117, %dma_start3A_122] : memref<4x80xi32, #tpu.memory_space<vmem>> -> memref<1x80xi32, #tpu.memory_space<vmem>>
        %dma_start3A_124 = tpu.memref_squeeze %dma_start3A_123 : memref<1x80xi32, #tpu.memory_space<vmem>> -> memref<80xi32, #tpu.memory_space<vmem>>
        %dma_start3A_125 = tpu.memref_slice %arg2[%add3A_113] : memref<320000xi32, #tpu.memory_space<hbm>> -> memref<80xi32, #tpu.memory_space<hbm>>
        tpu.enqueue_dma source(%dma_start3A_125 : memref<80xi32, #tpu.memory_space<hbm>>) target(%dma_start3A_124 : memref<80xi32, #tpu.memory_space<vmem>>) target_semaphore(%arg11 : memref<!tpu.dma_semaphore, #tpu.memory_space<semaphore_mem>>)
        %dma_start3A_126 = arith.constant 0 : i32
        %dma_start3A_127 = tpu.memref_slice %arg8[%rem3A_117, %dma_start3A_126] : memref<4x80xi32, #tpu.memory_space<vmem>> -> memref<1x80xi32, #tpu.memory_space<vmem>>
        %dma_start3A_128 = tpu.memref_squeeze %dma_start3A_127 : memref<1x80xi32, #tpu.memory_space<vmem>> -> memref<80xi32, #tpu.memory_space<vmem>>
        %dma_start3A_129 = tpu.memref_slice %arg3[%add3A_113] : memref<320000xi32, #tpu.memory_space<hbm>> -> memref<80xi32, #tpu.memory_space<hbm>>
        %dma_start3A_130 = arith.constant 0 : i32
        %dma_start3A_131 = tpu.memref_slice %arg8[%rem3A_117, %dma_start3A_130] : memref<4x80xi32, #tpu.memory_space<vmem>> -> memref<1x80xi32, #tpu.memory_space<vmem>>
        %dma_start3A_132 = tpu.memref_squeeze %dma_start3A_131 : memref<1x80xi32, #tpu.memory_space<vmem>> -> memref<80xi32, #tpu.memory_space<vmem>>
        %dma_start3A_133 = tpu.memref_slice %arg3[%add3A_113] : memref<320000xi32, #tpu.memory_space<hbm>> -> memref<80xi32, #tpu.memory_space<hbm>>
        tpu.enqueue_dma source(%dma_start3A_133 : memref<80xi32, #tpu.memory_space<hbm>>) target(%dma_start3A_132 : memref<80xi32, #tpu.memory_space<vmem>>) target_semaphore(%arg11 : memref<!tpu.dma_semaphore, #tpu.memory_space<semaphore_mem>>)
      } else {
      }
    }
    %scan3A_43 = arith.constant 125 : i32
    %dma_wait3A = arith.constant 0 : i32
    %dma_wait3A_44 = arith.constant 0 : i32
    %dma_wait3A_45 = arith.constant 0 : i32
    %dma_wait3A_46 = arith.constant 0 : i32
    %dma_wait3A_47 = tpu.memref_slice %arg9[%dma_wait3A, %dma_wait3A_45, %dma_wait3A_46] : memref<3x80x128xf32, #tpu.memory_space<vmem>> -> memref<1x80x128xf32, #tpu.memory_space<vmem>>
    %dma_wait3A_48 = tpu.memref_squeeze %dma_wait3A_47 : memref<1x80x128xf32, #tpu.memory_space<vmem>> -> memref<80x128xf32, #tpu.memory_space<vmem>>
    %dma_wait3A_49 = arith.constant 0 : i32
    %dma_wait3A_50 = tpu.memref_slice %arg8[%dma_wait3A_44, %dma_wait3A_49] : memref<4x80xi32, #tpu.memory_space<vmem>> -> memref<1x80xi32, #tpu.memory_space<vmem>>
    %dma_wait3A_51 = tpu.memref_squeeze %dma_wait3A_50 : memref<1x80xi32, #tpu.memory_space<vmem>> -> memref<80xi32, #tpu.memory_space<vmem>>
    %dma_wait3A_52 = arith.constant 0 : i32
    %dma_wait3A_53 = arith.constant 0 : i32
    %dma_wait3A_54 = tpu.memref_slice %arg13[%dma_wait3A_52, %dma_wait3A_53] : memref<10240x128xf32, #tpu.memory_space<vmem_shared>> -> memref<10240x128xf32, #tpu.memory_space<vmem_shared>>
    tpu.wait_indirect_dma semaphore(%arg12 : memref<!tpu.dma_semaphore, #tpu.memory_space<semaphore_mem>>) src(%dma_wait3A_48 : memref<80x128xf32, #tpu.memory_space<vmem>>) dst(%dma_wait3A_54 : memref<10240x128xf32, #tpu.memory_space<vmem_shared>>)
    %dma_wait3A_55 = arith.constant 0 : i32
    %dma_wait3A_56 = arith.constant 0 : i32
    %dma_wait3A_57 = arith.constant 0 : i32
    %dma_wait3A_58 = arith.constant 0 : i32
    %dma_wait3A_59 = tpu.memref_slice %arg9[%dma_wait3A_55, %dma_wait3A_57, %dma_wait3A_58] : memref<3x80x128xf32, #tpu.memory_space<vmem>> -> memref<1x80x128xf32, #tpu.memory_space<vmem>>
    %dma_wait3A_60 = tpu.memref_squeeze %dma_wait3A_59 : memref<1x80x128xf32, #tpu.memory_space<vmem>> -> memref<80x128xf32, #tpu.memory_space<vmem>>
    %dma_wait3A_61 = arith.constant 0 : i32
    %dma_wait3A_62 = tpu.memref_slice %arg8[%dma_wait3A_56, %dma_wait3A_61] : memref<4x80xi32, #tpu.memory_space<vmem>> -> memref<1x80xi32, #tpu.memory_space<vmem>>
    %dma_wait3A_63 = tpu.memref_squeeze %dma_wait3A_62 : memref<1x80xi32, #tpu.memory_space<vmem>> -> memref<80xi32, #tpu.memory_space<vmem>>
    %dma_wait3A_64 = arith.constant 0 : i32
    %dma_wait3A_65 = arith.constant 0 : i32
    %dma_wait3A_66 = tpu.memref_slice %arg13[%dma_wait3A_64, %dma_wait3A_65] : memref<10240x128xf32, #tpu.memory_space<vmem_shared>> -> memref<10240x128xf32, #tpu.memory_space<vmem_shared>>
    tpu.wait_indirect_dma semaphore(%arg12 : memref<!tpu.dma_semaphore, #tpu.memory_space<semaphore_mem>>) src(%dma_wait3A_60 : memref<80x128xf32, #tpu.memory_space<vmem>>) dst(%dma_wait3A_66 : memref<10240x128xf32, #tpu.memory_space<vmem_shared>>)
    %barrier3A_67 = arith.constant 0 : index
    tpu.barrier barrier_id(%barrier3A_67)
    "tpu.region"() ({
      %run_scoped3A_68 = tpu.sem_alloc : memref<!tpu.dma_semaphore, #tpu.memory_space<semaphore_mem>>
      %dma_start3A_69 = arith.constant 0 : i32
      %dma_start3A_70 = tpu.memref_slice %arg6[%arg0, %mul3A_2, %dma_start3A_69] : memref<2x10240x128xf32, #tpu.memory_space<hbm>> -> memref<1x640x128xf32, #tpu.memory_space<hbm>>
      %dma_start3A_71 = tpu.memref_squeeze %dma_start3A_70 : memref<1x640x128xf32, #tpu.memory_space<hbm>> -> memref<640x128xf32, #tpu.memory_space<hbm>>
      %dma_start3A_72 = arith.constant 0 : i32
      %dma_start3A_73 = tpu.memref_slice %arg13[%mul3A_2, %dma_start3A_72] : memref<10240x128xf32, #tpu.memory_space<vmem_shared>> -> memref<640x128xf32, #tpu.memory_space<vmem_shared>>
      tpu.enqueue_dma source(%dma_start3A_73 : memref<640x128xf32, #tpu.memory_space<vmem_shared>>) target(%dma_start3A_71 : memref<640x128xf32, #tpu.memory_space<hbm>>) target_semaphore(%run_scoped3A_68 : memref<!tpu.dma_semaphore, #tpu.memory_space<semaphore_mem>>)
      %dma_wait3A_74 = arith.constant 0 : i32
      %dma_wait3A_75 = tpu.memref_slice %arg6[%arg0, %mul3A_2, %dma_wait3A_74] : memref<2x10240x128xf32, #tpu.memory_space<hbm>> -> memref<1x640x128xf32, #tpu.memory_space<hbm>>
      %dma_wait3A_76 = tpu.memref_squeeze %dma_wait3A_75 : memref<1x640x128xf32, #tpu.memory_space<hbm>> -> memref<640x128xf32, #tpu.memory_space<hbm>>
      %dma_wait3A_77 = arith.constant 0 : i32
      %dma_wait3A_78 = tpu.memref_slice %arg13[%mul3A_2, %dma_wait3A_77] : memref<10240x128xf32, #tpu.memory_space<vmem_shared>> -> memref<640x128xf32, #tpu.memory_space<vmem_shared>>
      tpu.wait_dma2 semaphore(%run_scoped3A_68 : memref<!tpu.dma_semaphore, #tpu.memory_space<semaphore_mem>>) src(%dma_wait3A_78 : memref<640x128xf32, #tpu.memory_space<vmem_shared>>) dst(%dma_wait3A_76 : memref<640x128xf32, #tpu.memory_space<hbm>>)
      tpu.yield
    }) : () -> ()
    return
  }
}

#map = affine_map<(d0, d1) -> (0, 0)>
#map1 = affine_map<(d0, d1) -> (0)>
module attributes {stable_mosaic.version = 14 : i64} {
  func.func @_deg_body(%arg0: i32, %arg1: i32, %arg2: memref<2560x128xi32, #tpu.memory_space<hbm>>, %arg3: memref<20480xf32, #tpu.memory_space<hbm>>, %arg4: memref<80x128xi32, #tpu.memory_space<vmem>>, %arg5: memref<128xf32, #tpu.memory_space<vmem>>, %arg6: memref<640xf32, #tpu.memory_space<vmem>>, %arg7: memref<!tpu.dma_semaphore, #tpu.memory_space<semaphore_mem>>, %arg8: memref<10240xf32, #tpu.memory_space<vmem_shared>>) attributes {dimension_semantics = [#tpu.dimension_semantics<core_parallel>, #tpu.dimension_semantics<subcore_parallel>], iteration_bounds = array<i64: 2, 16>, scalar_prefetch = 0 : i64, scratch_operands = 5 : i64, tpu.core_type = #tpu.core_type<sc_vector_subcore>, window_params = [{transform_indices = #map}, {transform_indices = #map1}]} {
    %mul3A = arith.constant 16 : i32
    %mul3A_0 = arith.muli %arg0, %mul3A : i32
    %add3A = arith.addi %mul3A_0, %arg1 : i32
    %broadcast_in_dim3A = arith.constant 1.000000e+00 : f32
    %broadcast_in_dim3A_1 = vector.broadcast %broadcast_in_dim3A : f32 to vector<16xf32>
    %swap3A = arith.constant 0 : index
    %swap3A_2 = tpu.vector_load %arg5[%swap3A] {strides = array<i32>} : memref<128xf32, #tpu.memory_space<vmem>>, vector<16xf32>,
    %swap3A_3 = vector.shape_cast %swap3A_2 : vector<16xf32> to vector<16xf32>
    %swap3A_4 = vector.shape_cast %broadcast_in_dim3A_1 : vector<16xf32> to vector<16xf32>
    tpu.vector_store %arg5[%swap3A], %swap3A_4 {strides = array<i32>} : memref<128xf32, #tpu.memory_space<vmem>>, vector<16xf32>,
    %broadcast_in_dim3A_5 = arith.constant 1.000000e+00 : f32
    %broadcast_in_dim3A_6 = vector.broadcast %broadcast_in_dim3A_5 : f32 to vector<16xf32>
    %swap3A_7 = arith.constant 16 : index
    %swap3A_8 = tpu.vector_load %arg5[%swap3A_7] {strides = array<i32>} : memref<128xf32, #tpu.memory_space<vmem>>, vector<16xf32>,
    %swap3A_9 = vector.shape_cast %swap3A_8 : vector<16xf32> to vector<16xf32>
    %swap3A_10 = vector.shape_cast %broadcast_in_dim3A_6 : vector<16xf32> to vector<16xf32>
    tpu.vector_store %arg5[%swap3A_7], %swap3A_10 {strides = array<i32>} : memref<128xf32, #tpu.memory_space<vmem>>, vector<16xf32>,
    %broadcast_in_dim3A_11 = arith.constant 1.000000e+00 : f32
    %broadcast_in_dim3A_12 = vector.broadcast %broadcast_in_dim3A_11 : f32 to vector<16xf32>
    %swap3A_13 = arith.constant 32 : index
    %swap3A_14 = tpu.vector_load %arg5[%swap3A_13] {strides = array<i32>} : memref<128xf32, #tpu.memory_space<vmem>>, vector<16xf32>,
    %swap3A_15 = vector.shape_cast %swap3A_14 : vector<16xf32> to vector<16xf32>
    %swap3A_16 = vector.shape_cast %broadcast_in_dim3A_12 : vector<16xf32> to vector<16xf32>
    tpu.vector_store %arg5[%swap3A_13], %swap3A_16 {strides = array<i32>} : memref<128xf32, #tpu.memory_space<vmem>>, vector<16xf32>,
    %broadcast_in_dim3A_17 = arith.constant 1.000000e+00 : f32
    %broadcast_in_dim3A_18 = vector.broadcast %broadcast_in_dim3A_17 : f32 to vector<16xf32>
    %swap3A_19 = arith.constant 48 : index
    %swap3A_20 = tpu.vector_load %arg5[%swap3A_19] {strides = array<i32>} : memref<128xf32, #tpu.memory_space<vmem>>, vector<16xf32>,
    %swap3A_21 = vector.shape_cast %swap3A_20 : vector<16xf32> to vector<16xf32>
    %swap3A_22 = vector.shape_cast %broadcast_in_dim3A_18 : vector<16xf32> to vector<16xf32>
    tpu.vector_store %arg5[%swap3A_19], %swap3A_22 {strides = array<i32>} : memref<128xf32, #tpu.memory_space<vmem>>, vector<16xf32>,
    %broadcast_in_dim3A_23 = arith.constant 1.000000e+00 : f32
    %broadcast_in_dim3A_24 = vector.broadcast %broadcast_in_dim3A_23 : f32 to vector<16xf32>
    %swap3A_25 = arith.constant 64 : index
    %swap3A_26 = tpu.vector_load %arg5[%swap3A_25] {strides = array<i32>} : memref<128xf32, #tpu.memory_space<vmem>>, vector<16xf32>,
    %swap3A_27 = vector.shape_cast %swap3A_26 : vector<16xf32> to vector<16xf32>
    %swap3A_28 = vector.shape_cast %broadcast_in_dim3A_24 : vector<16xf32> to vector<16xf32>
    tpu.vector_store %arg5[%swap3A_25], %swap3A_28 {strides = array<i32>} : memref<128xf32, #tpu.memory_space<vmem>>, vector<16xf32>,
    %broadcast_in_dim3A_29 = arith.constant 1.000000e+00 : f32
    %broadcast_in_dim3A_30 = vector.broadcast %broadcast_in_dim3A_29 : f32 to vector<16xf32>
    %swap3A_31 = arith.constant 80 : index
    %swap3A_32 = tpu.vector_load %arg5[%swap3A_31] {strides = array<i32>} : memref<128xf32, #tpu.memory_space<vmem>>, vector<16xf32>,
    %swap3A_33 = vector.shape_cast %swap3A_32 : vector<16xf32> to vector<16xf32>
    %swap3A_34 = vector.shape_cast %broadcast_in_dim3A_30 : vector<16xf32> to vector<16xf32>
    tpu.vector_store %arg5[%swap3A_31], %swap3A_34 {strides = array<i32>} : memref<128xf32, #tpu.memory_space<vmem>>, vector<16xf32>,
    %broadcast_in_dim3A_35 = arith.constant 1.000000e+00 : f32
    %broadcast_in_dim3A_36 = vector.broadcast %broadcast_in_dim3A_35 : f32 to vector<16xf32>
    %swap3A_37 = arith.constant 96 : index
    %swap3A_38 = tpu.vector_load %arg5[%swap3A_37] {strides = array<i32>} : memref<128xf32, #tpu.memory_space<vmem>>, vector<16xf32>,
    %swap3A_39 = vector.shape_cast %swap3A_38 : vector<16xf32> to vector<16xf32>
    %swap3A_40 = vector.shape_cast %broadcast_in_dim3A_36 : vector<16xf32> to vector<16xf32>
    tpu.vector_store %arg5[%swap3A_37], %swap3A_40 {strides = array<i32>} : memref<128xf32, #tpu.memory_space<vmem>>, vector<16xf32>,
    %broadcast_in_dim3A_41 = arith.constant 1.000000e+00 : f32
    %broadcast_in_dim3A_42 = vector.broadcast %broadcast_in_dim3A_41 : f32 to vector<16xf32>
    %swap3A_43 = arith.constant 112 : index
    %swap3A_44 = tpu.vector_load %arg5[%swap3A_43] {strides = array<i32>} : memref<128xf32, #tpu.memory_space<vmem>>, vector<16xf32>,
    %swap3A_45 = vector.shape_cast %swap3A_44 : vector<16xf32> to vector<16xf32>
    %swap3A_46 = vector.shape_cast %broadcast_in_dim3A_42 : vector<16xf32> to vector<16xf32>
    tpu.vector_store %arg5[%swap3A_43], %swap3A_46 {strides = array<i32>} : memref<128xf32, #tpu.memory_space<vmem>>, vector<16xf32>,
    %broadcast_in_dim3A_47 = arith.constant 0.000000e+00 : f32
    %broadcast_in_dim3A_48 = vector.broadcast %broadcast_in_dim3A_47 : f32 to vector<16xf32>
    %swap3A_49 = arith.constant 0 : index
    %swap3A_50 = tpu.vector_load %arg6[%swap3A_49] {strides = array<i32>} : memref<640xf32, #tpu.memory_space<vmem>>, vector<16xf32>,
    %swap3A_51 = vector.shape_cast %swap3A_50 : vector<16xf32> to vector<16xf32>
    %swap3A_52 = vector.shape_cast %broadcast_in_dim3A_48 : vector<16xf32> to vector<16xf32>
    tpu.vector_store %arg6[%swap3A_49], %swap3A_52 {strides = array<i32>} : memref<640xf32, #tpu.memory_space<vmem>>, vector<16xf32>,
    %broadcast_in_dim3A_53 = arith.constant 0.000000e+00 : f32
    %broadcast_in_dim3A_54 = vector.broadcast %broadcast_in_dim3A_53 : f32 to vector<16xf32>
    %swap3A_55 = arith.constant 16 : index
    %swap3A_56 = tpu.vector_load %arg6[%swap3A_55] {strides = array<i32>} : memref<640xf32, #tpu.memory_space<vmem>>, vector<16xf32>,
    %swap3A_57 = vector.shape_cast %swap3A_56 : vector<16xf32> to vector<16xf32>
    %swap3A_58 = vector.shape_cast %broadcast_in_dim3A_54 : vector<16xf32> to vector<16xf32>
    tpu.vector_store %arg6[%swap3A_55], %swap3A_58 {strides = array<i32>} : memref<640xf32, #tpu.memory_space<vmem>>, vector<16xf32>,
    %broadcast_in_dim3A_59 = arith.constant 0.000000e+00 : f32
    %broadcast_in_dim3A_60 = vector.broadcast %broadcast_in_dim3A_59 : f32 to vector<16xf32>
    %swap3A_61 = arith.constant 32 : index
    %swap3A_62 = tpu.vector_load %arg6[%swap3A_61] {strides = array<i32>} : memref<640xf32, #tpu.memory_space<vmem>>, vector<16xf32>,
    %swap3A_63 = vector.shape_cast %swap3A_62 : vector<16xf32> to vector<16xf32>
    %swap3A_64 = vector.shape_cast %broadcast_in_dim3A_60 : vector<16xf32> to vector<16xf32>
    tpu.vector_store %arg6[%swap3A_61], %swap3A_64 {strides = array<i32>} : memref<640xf32, #tpu.memory_space<vmem>>, vector<16xf32>,
    %broadcast_in_dim3A_65 = arith.constant 0.000000e+00 : f32
    %broadcast_in_dim3A_66 = vector.broadcast %broadcast_in_dim3A_65 : f32 to vector<16xf32>
    %swap3A_67 = arith.constant 48 : index
    %swap3A_68 = tpu.vector_load %arg6[%swap3A_67] {strides = array<i32>} : memref<640xf32, #tpu.memory_space<vmem>>, vector<16xf32>,
    %swap3A_69 = vector.shape_cast %swap3A_68 : vector<16xf32> to vector<16xf32>
    %swap3A_70 = vector.shape_cast %broadcast_in_dim3A_66 : vector<16xf32> to vector<16xf32>
    tpu.vector_store %arg6[%swap3A_67], %swap3A_70 {strides = array<i32>} : memref<640xf32, #tpu.memory_space<vmem>>, vector<16xf32>,
    %broadcast_in_dim3A_71 = arith.constant 0.000000e+00 : f32
    %broadcast_in_dim3A_72 = vector.broadcast %broadcast_in_dim3A_71 : f32 to vector<16xf32>
    %swap3A_73 = arith.constant 64 : index
    %swap3A_74 = tpu.vector_load %arg6[%swap3A_73] {strides = array<i32>} : memref<640xf32, #tpu.memory_space<vmem>>, vector<16xf32>,
    %swap3A_75 = vector.shape_cast %swap3A_74 : vector<16xf32> to vector<16xf32>
    %swap3A_76 = vector.shape_cast %broadcast_in_dim3A_72 : vector<16xf32> to vector<16xf32>
    tpu.vector_store %arg6[%swap3A_73], %swap3A_76 {strides = array<i32>} : memref<640xf32, #tpu.memory_space<vmem>>, vector<16xf32>,
    %broadcast_in_dim3A_77 = arith.constant 0.000000e+00 : f32
    %broadcast_in_dim3A_78 = vector.broadcast %broadcast_in_dim3A_77 : f32 to vector<16xf32>
    %swap3A_79 = arith.constant 80 : index
    %swap3A_80 = tpu.vector_load %arg6[%swap3A_79] {strides = array<i32>} : memref<640xf32, #tpu.memory_space<vmem>>, vector<16xf32>,
    %swap3A_81 = vector.shape_cast %swap3A_80 : vector<16xf32> to vector<16xf32>
    %swap3A_82 = vector.shape_cast %broadcast_in_dim3A_78 : vector<16xf32> to vector<16xf32>
    tpu.vector_store %arg6[%swap3A_79], %swap3A_82 {strides = array<i32>} : memref<640xf32, #tpu.memory_space<vmem>>, vector<16xf32>,
    %broadcast_in_dim3A_83 = arith.constant 0.000000e+00 : f32
    %broadcast_in_dim3A_84 = vector.broadcast %broadcast_in_dim3A_83 : f32 to vector<16xf32>
    %swap3A_85 = arith.constant 96 : index
    %swap3A_86 = tpu.vector_load %arg6[%swap3A_85] {strides = array<i32>} : memref<640xf32, #tpu.memory_space<vmem>>, vector<16xf32>,
    %swap3A_87 = vector.shape_cast %swap3A_86 : vector<16xf32> to vector<16xf32>
    %swap3A_88 = vector.shape_cast %broadcast_in_dim3A_84 : vector<16xf32> to vector<16xf32>
    tpu.vector_store %arg6[%swap3A_85], %swap3A_88 {strides = array<i32>} : memref<640xf32, #tpu.memory_space<vmem>>, vector<16xf32>,
    %broadcast_in_dim3A_89 = arith.constant 0.000000e+00 : f32
    %broadcast_in_dim3A_90 = vector.broadcast %broadcast_in_dim3A_89 : f32 to vector<16xf32>
    %swap3A_91 = arith.constant 112 : index
    %swap3A_92 = tpu.vector_load %arg6[%swap3A_91] {strides = array<i32>} : memref<640xf32, #tpu.memory_space<vmem>>, vector<16xf32>,
    %swap3A_93 = vector.shape_cast %swap3A_92 : vector<16xf32> to vector<16xf32>
    %swap3A_94 = vector.shape_cast %broadcast_in_dim3A_90 : vector<16xf32> to vector<16xf32>
    tpu.vector_store %arg6[%swap3A_91], %swap3A_94 {strides = array<i32>} : memref<640xf32, #tpu.memory_space<vmem>>, vector<16xf32>,
    %broadcast_in_dim3A_95 = arith.constant 0.000000e+00 : f32
    %broadcast_in_dim3A_96 = vector.broadcast %broadcast_in_dim3A_95 : f32 to vector<16xf32>
    %swap3A_97 = arith.constant 128 : index
    %swap3A_98 = tpu.vector_load %arg6[%swap3A_97] {strides = array<i32>} : memref<640xf32, #tpu.memory_space<vmem>>, vector<16xf32>,
    %swap3A_99 = vector.shape_cast %swap3A_98 : vector<16xf32> to vector<16xf32>
    %swap3A_100 = vector.shape_cast %broadcast_in_dim3A_96 : vector<16xf32> to vector<16xf32>
    tpu.vector_store %arg6[%swap3A_97], %swap3A_100 {strides = array<i32>} : memref<640xf32, #tpu.memory_space<vmem>>, vector<16xf32>,
    %broadcast_in_dim3A_101 = arith.constant 0.000000e+00 : f32
    %broadcast_in_dim3A_102 = vector.broadcast %broadcast_in_dim3A_101 : f32 to vector<16xf32>
    %swap3A_103 = arith.constant 144 : index
    %swap3A_104 = tpu.vector_load %arg6[%swap3A_103] {strides = array<i32>} : memref<640xf32, #tpu.memory_space<vmem>>, vector<16xf32>,
    %swap3A_105 = vector.shape_cast %swap3A_104 : vector<16xf32> to vector<16xf32>
    %swap3A_106 = vector.shape_cast %broadcast_in_dim3A_102 : vector<16xf32> to vector<16xf32>
    tpu.vector_store %arg6[%swap3A_103], %swap3A_106 {strides = array<i32>} : memref<640xf32, #tpu.memory_space<vmem>>, vector<16xf32>,
    %broadcast_in_dim3A_107 = arith.constant 0.000000e+00 : f32
    %broadcast_in_dim3A_108 = vector.broadcast %broadcast_in_dim3A_107 : f32 to vector<16xf32>
    %swap3A_109 = arith.constant 160 : index
    %swap3A_110 = tpu.vector_load %arg6[%swap3A_109] {strides = array<i32>} : memref<640xf32, #tpu.memory_space<vmem>>, vector<16xf32>,
    %swap3A_111 = vector.shape_cast %swap3A_110 : vector<16xf32> to vector<16xf32>
    %swap3A_112 = vector.shape_cast %broadcast_in_dim3A_108 : vector<16xf32> to vector<16xf32>
    tpu.vector_store %arg6[%swap3A_109], %swap3A_112 {strides = array<i32>} : memref<640xf32, #tpu.memory_space<vmem>>, vector<16xf32>,
    %broadcast_in_dim3A_113 = arith.constant 0.000000e+00 : f32
    %broadcast_in_dim3A_114 = vector.broadcast %broadcast_in_dim3A_113 : f32 to vector<16xf32>
    %swap3A_115 = arith.constant 176 : index
    %swap3A_116 = tpu.vector_load %arg6[%swap3A_115] {strides = array<i32>} : memref<640xf32, #tpu.memory_space<vmem>>, vector<16xf32>,
    %swap3A_117 = vector.shape_cast %swap3A_116 : vector<16xf32> to vector<16xf32>
    %swap3A_118 = vector.shape_cast %broadcast_in_dim3A_114 : vector<16xf32> to vector<16xf32>
    tpu.vector_store %arg6[%swap3A_115], %swap3A_118 {strides = array<i32>} : memref<640xf32, #tpu.memory_space<vmem>>, vector<16xf32>,
    %broadcast_in_dim3A_119 = arith.constant 0.000000e+00 : f32
    %broadcast_in_dim3A_120 = vector.broadcast %broadcast_in_dim3A_119 : f32 to vector<16xf32>
    %swap3A_121 = arith.constant 192 : index
    %swap3A_122 = tpu.vector_load %arg6[%swap3A_121] {strides = array<i32>} : memref<640xf32, #tpu.memory_space<vmem>>, vector<16xf32>,
    %swap3A_123 = vector.shape_cast %swap3A_122 : vector<16xf32> to vector<16xf32>
    %swap3A_124 = vector.shape_cast %broadcast_in_dim3A_120 : vector<16xf32> to vector<16xf32>
    tpu.vector_store %arg6[%swap3A_121], %swap3A_124 {strides = array<i32>} : memref<640xf32, #tpu.memory_space<vmem>>, vector<16xf32>,
    %broadcast_in_dim3A_125 = arith.constant 0.000000e+00 : f32
    %broadcast_in_dim3A_126 = vector.broadcast %broadcast_in_dim3A_125 : f32 to vector<16xf32>
    %swap3A_127 = arith.constant 208 : index
    %swap3A_128 = tpu.vector_load %arg6[%swap3A_127] {strides = array<i32>} : memref<640xf32, #tpu.memory_space<vmem>>, vector<16xf32>,
    %swap3A_129 = vector.shape_cast %swap3A_128 : vector<16xf32> to vector<16xf32>
    %swap3A_130 = vector.shape_cast %broadcast_in_dim3A_126 : vector<16xf32> to vector<16xf32>
    tpu.vector_store %arg6[%swap3A_127], %swap3A_130 {strides = array<i32>} : memref<640xf32, #tpu.memory_space<vmem>>, vector<16xf32>,
    %broadcast_in_dim3A_131 = arith.constant 0.000000e+00 : f32
    %broadcast_in_dim3A_132 = vector.broadcast %broadcast_in_dim3A_131 : f32 to vector<16xf32>
    %swap3A_133 = arith.constant 224 : index
    %swap3A_134 = tpu.vector_load %arg6[%swap3A_133] {strides = array<i32>} : memref<640xf32, #tpu.memory_space<vmem>>, vector<16xf32>,
    %swap3A_135 = vector.shape_cast %swap3A_134 : vector<16xf32> to vector<16xf32>
    %swap3A_136 = vector.shape_cast %broadcast_in_dim3A_132 : vector<16xf32> to vector<16xf32>
    tpu.vector_store %arg6[%swap3A_133], %swap3A_136 {strides = array<i32>} : memref<640xf32, #tpu.memory_space<vmem>>, vector<16xf32>,
    %broadcast_in_dim3A_137 = arith.constant 0.000000e+00 : f32
    %broadcast_in_dim3A_138 = vector.broadcast %broadcast_in_dim3A_137 : f32 to vector<16xf32>
    %swap3A_139 = arith.constant 240 : index
    %swap3A_140 = tpu.vector_load %arg6[%swap3A_139] {strides = array<i32>} : memref<640xf32, #tpu.memory_space<vmem>>, vector<16xf32>,
    %swap3A_141 = vector.shape_cast %swap3A_140 : vector<16xf32> to vector<16xf32>
    %swap3A_142 = vector.shape_cast %broadcast_in_dim3A_138 : vector<16xf32> to vector<16xf32>
    tpu.vector_store %arg6[%swap3A_139], %swap3A_142 {strides = array<i32>} : memref<640xf32, #tpu.memory_space<vmem>>, vector<16xf32>,
    %broadcast_in_dim3A_143 = arith.constant 0.000000e+00 : f32
    %broadcast_in_dim3A_144 = vector.broadcast %broadcast_in_dim3A_143 : f32 to vector<16xf32>
    %swap3A_145 = arith.constant 256 : index
    %swap3A_146 = tpu.vector_load %arg6[%swap3A_145] {strides = array<i32>} : memref<640xf32, #tpu.memory_space<vmem>>, vector<16xf32>,
    %swap3A_147 = vector.shape_cast %swap3A_146 : vector<16xf32> to vector<16xf32>
    %swap3A_148 = vector.shape_cast %broadcast_in_dim3A_144 : vector<16xf32> to vector<16xf32>
    tpu.vector_store %arg6[%swap3A_145], %swap3A_148 {strides = array<i32>} : memref<640xf32, #tpu.memory_space<vmem>>, vector<16xf32>,
    %broadcast_in_dim3A_149 = arith.constant 0.000000e+00 : f32
    %broadcast_in_dim3A_150 = vector.broadcast %broadcast_in_dim3A_149 : f32 to vector<16xf32>
    %swap3A_151 = arith.constant 272 : index
    %swap3A_152 = tpu.vector_load %arg6[%swap3A_151] {strides = array<i32>} : memref<640xf32, #tpu.memory_space<vmem>>, vector<16xf32>,
    %swap3A_153 = vector.shape_cast %swap3A_152 : vector<16xf32> to vector<16xf32>
    %swap3A_154 = vector.shape_cast %broadcast_in_dim3A_150 : vector<16xf32> to vector<16xf32>
    tpu.vector_store %arg6[%swap3A_151], %swap3A_154 {strides = array<i32>} : memref<640xf32, #tpu.memory_space<vmem>>, vector<16xf32>,
    %broadcast_in_dim3A_155 = arith.constant 0.000000e+00 : f32
    %broadcast_in_dim3A_156 = vector.broadcast %broadcast_in_dim3A_155 : f32 to vector<16xf32>
    %swap3A_157 = arith.constant 288 : index
    %swap3A_158 = tpu.vector_load %arg6[%swap3A_157] {strides = array<i32>} : memref<640xf32, #tpu.memory_space<vmem>>, vector<16xf32>,
    %swap3A_159 = vector.shape_cast %swap3A_158 : vector<16xf32> to vector<16xf32>
    %swap3A_160 = vector.shape_cast %broadcast_in_dim3A_156 : vector<16xf32> to vector<16xf32>
    tpu.vector_store %arg6[%swap3A_157], %swap3A_160 {strides = array<i32>} : memref<640xf32, #tpu.memory_space<vmem>>, vector<16xf32>,
    %broadcast_in_dim3A_161 = arith.constant 0.000000e+00 : f32
    %broadcast_in_dim3A_162 = vector.broadcast %broadcast_in_dim3A_161 : f32 to vector<16xf32>
    %swap3A_163 = arith.constant 304 : index
    %swap3A_164 = tpu.vector_load %arg6[%swap3A_163] {strides = array<i32>} : memref<640xf32, #tpu.memory_space<vmem>>, vector<16xf32>,
    %swap3A_165 = vector.shape_cast %swap3A_164 : vector<16xf32> to vector<16xf32>
    %swap3A_166 = vector.shape_cast %broadcast_in_dim3A_162 : vector<16xf32> to vector<16xf32>
    tpu.vector_store %arg6[%swap3A_163], %swap3A_166 {strides = array<i32>} : memref<640xf32, #tpu.memory_space<vmem>>, vector<16xf32>,
    %broadcast_in_dim3A_167 = arith.constant 0.000000e+00 : f32
    %broadcast_in_dim3A_168 = vector.broadcast %broadcast_in_dim3A_167 : f32 to vector<16xf32>
    %swap3A_169 = arith.constant 320 : index
    %swap3A_170 = tpu.vector_load %arg6[%swap3A_169] {strides = array<i32>} : memref<640xf32, #tpu.memory_space<vmem>>, vector<16xf32>,
    %swap3A_171 = vector.shape_cast %swap3A_170 : vector<16xf32> to vector<16xf32>
    %swap3A_172 = vector.shape_cast %broadcast_in_dim3A_168 : vector<16xf32> to vector<16xf32>
    tpu.vector_store %arg6[%swap3A_169], %swap3A_172 {strides = array<i32>} : memref<640xf32, #tpu.memory_space<vmem>>, vector<16xf32>,
    %broadcast_in_dim3A_173 = arith.constant 0.000000e+00 : f32
    %broadcast_in_dim3A_174 = vector.broadcast %broadcast_in_dim3A_173 : f32 to vector<16xf32>
    %swap3A_175 = arith.constant 336 : index
    %swap3A_176 = tpu.vector_load %arg6[%swap3A_175] {strides = array<i32>} : memref<640xf32, #tpu.memory_space<vmem>>, vector<16xf32>,
    %swap3A_177 = vector.shape_cast %swap3A_176 : vector<16xf32> to vector<16xf32>
    %swap3A_178 = vector.shape_cast %broadcast_in_dim3A_174 : vector<16xf32> to vector<16xf32>
    tpu.vector_store %arg6[%swap3A_175], %swap3A_178 {strides = array<i32>} : memref<640xf32, #tpu.memory_space<vmem>>, vector<16xf32>,
    %broadcast_in_dim3A_179 = arith.constant 0.000000e+00 : f32
    %broadcast_in_dim3A_180 = vector.broadcast %broadcast_in_dim3A_179 : f32 to vector<16xf32>
    %swap3A_181 = arith.constant 352 : index
    %swap3A_182 = tpu.vector_load %arg6[%swap3A_181] {strides = array<i32>} : memref<640xf32, #tpu.memory_space<vmem>>, vector<16xf32>,
    %swap3A_183 = vector.shape_cast %swap3A_182 : vector<16xf32> to vector<16xf32>
    %swap3A_184 = vector.shape_cast %broadcast_in_dim3A_180 : vector<16xf32> to vector<16xf32>
    tpu.vector_store %arg6[%swap3A_181], %swap3A_184 {strides = array<i32>} : memref<640xf32, #tpu.memory_space<vmem>>, vector<16xf32>,
    %broadcast_in_dim3A_185 = arith.constant 0.000000e+00 : f32
    %broadcast_in_dim3A_186 = vector.broadcast %broadcast_in_dim3A_185 : f32 to vector<16xf32>
    %swap3A_187 = arith.constant 368 : index
    %swap3A_188 = tpu.vector_load %arg6[%swap3A_187] {strides = array<i32>} : memref<640xf32, #tpu.memory_space<vmem>>, vector<16xf32>,
    %swap3A_189 = vector.shape_cast %swap3A_188 : vector<16xf32> to vector<16xf32>
    %swap3A_190 = vector.shape_cast %broadcast_in_dim3A_186 : vector<16xf32> to vector<16xf32>
    tpu.vector_store %arg6[%swap3A_187], %swap3A_190 {strides = array<i32>} : memref<640xf32, #tpu.memory_space<vmem>>, vector<16xf32>,
    %broadcast_in_dim3A_191 = arith.constant 0.000000e+00 : f32
    %broadcast_in_dim3A_192 = vector.broadcast %broadcast_in_dim3A_191 : f32 to vector<16xf32>
    %swap3A_193 = arith.constant 384 : index
    %swap3A_194 = tpu.vector_load %arg6[%swap3A_193] {strides = array<i32>} : memref<640xf32, #tpu.memory_space<vmem>>, vector<16xf32>,
    %swap3A_195 = vector.shape_cast %swap3A_194 : vector<16xf32> to vector<16xf32>
    %swap3A_196 = vector.shape_cast %broadcast_in_dim3A_192 : vector<16xf32> to vector<16xf32>
    tpu.vector_store %arg6[%swap3A_193], %swap3A_196 {strides = array<i32>} : memref<640xf32, #tpu.memory_space<vmem>>, vector<16xf32>,
    %broadcast_in_dim3A_197 = arith.constant 0.000000e+00 : f32
    %broadcast_in_dim3A_198 = vector.broadcast %broadcast_in_dim3A_197 : f32 to vector<16xf32>
    %swap3A_199 = arith.constant 400 : index
    %swap3A_200 = tpu.vector_load %arg6[%swap3A_199] {strides = array<i32>} : memref<640xf32, #tpu.memory_space<vmem>>, vector<16xf32>,
    %swap3A_201 = vector.shape_cast %swap3A_200 : vector<16xf32> to vector<16xf32>
    %swap3A_202 = vector.shape_cast %broadcast_in_dim3A_198 : vector<16xf32> to vector<16xf32>
    tpu.vector_store %arg6[%swap3A_199], %swap3A_202 {strides = array<i32>} : memref<640xf32, #tpu.memory_space<vmem>>, vector<16xf32>,
    %broadcast_in_dim3A_203 = arith.constant 0.000000e+00 : f32
    %broadcast_in_dim3A_204 = vector.broadcast %broadcast_in_dim3A_203 : f32 to vector<16xf32>
    %swap3A_205 = arith.constant 416 : index
    %swap3A_206 = tpu.vector_load %arg6[%swap3A_205] {strides = array<i32>} : memref<640xf32, #tpu.memory_space<vmem>>, vector<16xf32>,
    %swap3A_207 = vector.shape_cast %swap3A_206 : vector<16xf32> to vector<16xf32>
    %swap3A_208 = vector.shape_cast %broadcast_in_dim3A_204 : vector<16xf32> to vector<16xf32>
    tpu.vector_store %arg6[%swap3A_205], %swap3A_208 {strides = array<i32>} : memref<640xf32, #tpu.memory_space<vmem>>, vector<16xf32>,
    %broadcast_in_dim3A_209 = arith.constant 0.000000e+00 : f32
    %broadcast_in_dim3A_210 = vector.broadcast %broadcast_in_dim3A_209 : f32 to vector<16xf32>
    %swap3A_211 = arith.constant 432 : index
    %swap3A_212 = tpu.vector_load %arg6[%swap3A_211] {strides = array<i32>} : memref<640xf32, #tpu.memory_space<vmem>>, vector<16xf32>,
    %swap3A_213 = vector.shape_cast %swap3A_212 : vector<16xf32> to vector<16xf32>
    %swap3A_214 = vector.shape_cast %broadcast_in_dim3A_210 : vector<16xf32> to vector<16xf32>
    tpu.vector_store %arg6[%swap3A_211], %swap3A_214 {strides = array<i32>} : memref<640xf32, #tpu.memory_space<vmem>>, vector<16xf32>,
    %broadcast_in_dim3A_215 = arith.constant 0.000000e+00 : f32
    %broadcast_in_dim3A_216 = vector.broadcast %broadcast_in_dim3A_215 : f32 to vector<16xf32>
    %swap3A_217 = arith.constant 448 : index
    %swap3A_218 = tpu.vector_load %arg6[%swap3A_217] {strides = array<i32>} : memref<640xf32, #tpu.memory_space<vmem>>, vector<16xf32>,
    %swap3A_219 = vector.shape_cast %swap3A_218 : vector<16xf32> to vector<16xf32>
    %swap3A_220 = vector.shape_cast %broadcast_in_dim3A_216 : vector<16xf32> to vector<16xf32>
    tpu.vector_store %arg6[%swap3A_217], %swap3A_220 {strides = array<i32>} : memref<640xf32, #tpu.memory_space<vmem>>, vector<16xf32>,
    %broadcast_in_dim3A_221 = arith.constant 0.000000e+00 : f32
    %broadcast_in_dim3A_222 = vector.broadcast %broadcast_in_dim3A_221 : f32 to vector<16xf32>
    %swap3A_223 = arith.constant 464 : index
    %swap3A_224 = tpu.vector_load %arg6[%swap3A_223] {strides = array<i32>} : memref<640xf32, #tpu.memory_space<vmem>>, vector<16xf32>,
    %swap3A_225 = vector.shape_cast %swap3A_224 : vector<16xf32> to vector<16xf32>
    %swap3A_226 = vector.shape_cast %broadcast_in_dim3A_222 : vector<16xf32> to vector<16xf32>
    tpu.vector_store %arg6[%swap3A_223], %swap3A_226 {strides = array<i32>} : memref<640xf32, #tpu.memory_space<vmem>>, vector<16xf32>,
    %broadcast_in_dim3A_227 = arith.constant 0.000000e+00 : f32
    %broadcast_in_dim3A_228 = vector.broadcast %broadcast_in_dim3A_227 : f32 to vector<16xf32>
    %swap3A_229 = arith.constant 480 : index
    %swap3A_230 = tpu.vector_load %arg6[%swap3A_229] {strides = array<i32>} : memref<640xf32, #tpu.memory_space<vmem>>, vector<16xf32>,
    %swap3A_231 = vector.shape_cast %swap3A_230 : vector<16xf32> to vector<16xf32>
    %swap3A_232 = vector.shape_cast %broadcast_in_dim3A_228 : vector<16xf32> to vector<16xf32>
    tpu.vector_store %arg6[%swap3A_229], %swap3A_232 {strides = array<i32>} : memref<640xf32, #tpu.memory_space<vmem>>, vector<16xf32>,
    %broadcast_in_dim3A_233 = arith.constant 0.000000e+00 : f32
    %broadcast_in_dim3A_234 = vector.broadcast %broadcast_in_dim3A_233 : f32 to vector<16xf32>
    %swap3A_235 = arith.constant 496 : index
    %swap3A_236 = tpu.vector_load %arg6[%swap3A_235] {strides = array<i32>} : memref<640xf32, #tpu.memory_space<vmem>>, vector<16xf32>,
    %swap3A_237 = vector.shape_cast %swap3A_236 : vector<16xf32> to vector<16xf32>
    %swap3A_238 = vector.shape_cast %broadcast_in_dim3A_234 : vector<16xf32> to vector<16xf32>
    tpu.vector_store %arg6[%swap3A_235], %swap3A_238 {strides = array<i32>} : memref<640xf32, #tpu.memory_space<vmem>>, vector<16xf32>,
    %broadcast_in_dim3A_239 = arith.constant 0.000000e+00 : f32
    %broadcast_in_dim3A_240 = vector.broadcast %broadcast_in_dim3A_239 : f32 to vector<16xf32>
    %swap3A_241 = arith.constant 512 : index
    %swap3A_242 = tpu.vector_load %arg6[%swap3A_241] {strides = array<i32>} : memref<640xf32, #tpu.memory_space<vmem>>, vector<16xf32>,
    %swap3A_243 = vector.shape_cast %swap3A_242 : vector<16xf32> to vector<16xf32>
    %swap3A_244 = vector.shape_cast %broadcast_in_dim3A_240 : vector<16xf32> to vector<16xf32>
    tpu.vector_store %arg6[%swap3A_241], %swap3A_244 {strides = array<i32>} : memref<640xf32, #tpu.memory_space<vmem>>, vector<16xf32>,
    %broadcast_in_dim3A_245 = arith.constant 0.000000e+00 : f32
    %broadcast_in_dim3A_246 = vector.broadcast %broadcast_in_dim3A_245 : f32 to vector<16xf32>
    %swap3A_247 = arith.constant 528 : index
    %swap3A_248 = tpu.vector_load %arg6[%swap3A_247] {strides = array<i32>} : memref<640xf32, #tpu.memory_space<vmem>>, vector<16xf32>,
    %swap3A_249 = vector.shape_cast %swap3A_248 : vector<16xf32> to vector<16xf32>
    %swap3A_250 = vector.shape_cast %broadcast_in_dim3A_246 : vector<16xf32> to vector<16xf32>
    tpu.vector_store %arg6[%swap3A_247], %swap3A_250 {strides = array<i32>} : memref<640xf32, #tpu.memory_space<vmem>>, vector<16xf32>,
    %broadcast_in_dim3A_251 = arith.constant 0.000000e+00 : f32
    %broadcast_in_dim3A_252 = vector.broadcast %broadcast_in_dim3A_251 : f32 to vector<16xf32>
    %swap3A_253 = arith.constant 544 : index
    %swap3A_254 = tpu.vector_load %arg6[%swap3A_253] {strides = array<i32>} : memref<640xf32, #tpu.memory_space<vmem>>, vector<16xf32>,
    %swap3A_255 = vector.shape_cast %swap3A_254 : vector<16xf32> to vector<16xf32>
    %swap3A_256 = vector.shape_cast %broadcast_in_dim3A_252 : vector<16xf32> to vector<16xf32>
    tpu.vector_store %arg6[%swap3A_253], %swap3A_256 {strides = array<i32>} : memref<640xf32, #tpu.memory_space<vmem>>, vector<16xf32>,
    %broadcast_in_dim3A_257 = arith.constant 0.000000e+00 : f32
    %broadcast_in_dim3A_258 = vector.broadcast %broadcast_in_dim3A_257 : f32 to vector<16xf32>
    %swap3A_259 = arith.constant 560 : index
    %swap3A_260 = tpu.vector_load %arg6[%swap3A_259] {strides = array<i32>} : memref<640xf32, #tpu.memory_space<vmem>>, vector<16xf32>,
    %swap3A_261 = vector.shape_cast %swap3A_260 : vector<16xf32> to vector<16xf32>
    %swap3A_262 = vector.shape_cast %broadcast_in_dim3A_258 : vector<16xf32> to vector<16xf32>
    tpu.vector_store %arg6[%swap3A_259], %swap3A_262 {strides = array<i32>} : memref<640xf32, #tpu.memory_space<vmem>>, vector<16xf32>,
    %broadcast_in_dim3A_263 = arith.constant 0.000000e+00 : f32
    %broadcast_in_dim3A_264 = vector.broadcast %broadcast_in_dim3A_263 : f32 to vector<16xf32>
    %swap3A_265 = arith.constant 576 : index
    %swap3A_266 = tpu.vector_load %arg6[%swap3A_265] {strides = array<i32>} : memref<640xf32, #tpu.memory_space<vmem>>, vector<16xf32>,
    %swap3A_267 = vector.shape_cast %swap3A_266 : vector<16xf32> to vector<16xf32>
    %swap3A_268 = vector.shape_cast %broadcast_in_dim3A_264 : vector<16xf32> to vector<16xf32>
    tpu.vector_store %arg6[%swap3A_265], %swap3A_268 {strides = array<i32>} : memref<640xf32, #tpu.memory_space<vmem>>, vector<16xf32>,
    %broadcast_in_dim3A_269 = arith.constant 0.000000e+00 : f32
    %broadcast_in_dim3A_270 = vector.broadcast %broadcast_in_dim3A_269 : f32 to vector<16xf32>
    %swap3A_271 = arith.constant 592 : index
    %swap3A_272 = tpu.vector_load %arg6[%swap3A_271] {strides = array<i32>} : memref<640xf32, #tpu.memory_space<vmem>>, vector<16xf32>,
    %swap3A_273 = vector.shape_cast %swap3A_272 : vector<16xf32> to vector<16xf32>
    %swap3A_274 = vector.shape_cast %broadcast_in_dim3A_270 : vector<16xf32> to vector<16xf32>
    tpu.vector_store %arg6[%swap3A_271], %swap3A_274 {strides = array<i32>} : memref<640xf32, #tpu.memory_space<vmem>>, vector<16xf32>,
    %broadcast_in_dim3A_275 = arith.constant 0.000000e+00 : f32
    %broadcast_in_dim3A_276 = vector.broadcast %broadcast_in_dim3A_275 : f32 to vector<16xf32>
    %swap3A_277 = arith.constant 608 : index
    %swap3A_278 = tpu.vector_load %arg6[%swap3A_277] {strides = array<i32>} : memref<640xf32, #tpu.memory_space<vmem>>, vector<16xf32>,
    %swap3A_279 = vector.shape_cast %swap3A_278 : vector<16xf32> to vector<16xf32>
    %swap3A_280 = vector.shape_cast %broadcast_in_dim3A_276 : vector<16xf32> to vector<16xf32>
    tpu.vector_store %arg6[%swap3A_277], %swap3A_280 {strides = array<i32>} : memref<640xf32, #tpu.memory_space<vmem>>, vector<16xf32>,
    %broadcast_in_dim3A_281 = arith.constant 0.000000e+00 : f32
    %broadcast_in_dim3A_282 = vector.broadcast %broadcast_in_dim3A_281 : f32 to vector<16xf32>
    %swap3A_283 = arith.constant 624 : index
    %swap3A_284 = tpu.vector_load %arg6[%swap3A_283] {strides = array<i32>} : memref<640xf32, #tpu.memory_space<vmem>>, vector<16xf32>,
    %swap3A_285 = vector.shape_cast %swap3A_284 : vector<16xf32> to vector<16xf32>
    %swap3A_286 = vector.shape_cast %broadcast_in_dim3A_282 : vector<16xf32> to vector<16xf32>
    tpu.vector_store %arg6[%swap3A_283], %swap3A_286 {strides = array<i32>} : memref<640xf32, #tpu.memory_space<vmem>>, vector<16xf32>,
    %mul3A_287 = arith.constant 640 : i32
    %mul3A_288 = arith.muli %arg1, %mul3A_287 : i32
    "tpu.region"() ({
      %run_scoped3A = tpu.sem_alloc : memref<!tpu.dma_semaphore, #tpu.memory_space<semaphore_mem>>
      %dma_start3A = tpu.memref_slice %arg8[%mul3A_288] : memref<10240xf32, #tpu.memory_space<vmem_shared>> -> memref<640xf32, #tpu.memory_space<vmem_shared>>
      %dma_start3A_300 = tpu.memref_slice %arg8[%mul3A_288] : memref<10240xf32, #tpu.memory_space<vmem_shared>> -> memref<640xf32, #tpu.memory_space<vmem_shared>>
      tpu.enqueue_dma source(%arg6 : memref<640xf32, #tpu.memory_space<vmem>>) target(%dma_start3A_300 : memref<640xf32, #tpu.memory_space<vmem_shared>>) target_semaphore(%run_scoped3A : memref<!tpu.dma_semaphore, #tpu.memory_space<semaphore_mem>>)
      %dma_wait3A = tpu.memref_slice %arg8[%mul3A_288] : memref<10240xf32, #tpu.memory_space<vmem_shared>> -> memref<640xf32, #tpu.memory_space<vmem_shared>>
      %dma_wait3A_301 = tpu.memref_slice %arg8[%mul3A_288] : memref<10240xf32, #tpu.memory_space<vmem_shared>> -> memref<640xf32, #tpu.memory_space<vmem_shared>>
      tpu.wait_dma2 semaphore(%run_scoped3A : memref<!tpu.dma_semaphore, #tpu.memory_space<semaphore_mem>>) src(%arg6 : memref<640xf32, #tpu.memory_space<vmem>>) dst(%dma_wait3A_301 : memref<640xf32, #tpu.memory_space<vmem_shared>>)
      tpu.yield
    }) : () -> ()
    %mul3A_289 = arith.constant 80 : i32
    %mul3A_290 = arith.muli %add3A, %mul3A_289 : i32
    "tpu.region"() ({
      %run_scoped3A = tpu.sem_alloc : memref<!tpu.dma_semaphore, #tpu.memory_space<semaphore_mem>>
      %dma_start3A = arith.constant 0 : i32
      %dma_start3A_300 = tpu.memref_slice %arg2[%mul3A_290, %dma_start3A] : memref<2560x128xi32, #tpu.memory_space<hbm>> -> memref<80x128xi32, #tpu.memory_space<hbm>>
      %dma_start3A_301 = arith.constant 0 : i32
      %dma_start3A_302 = tpu.memref_slice %arg2[%mul3A_290, %dma_start3A_301] : memref<2560x128xi32, #tpu.memory_space<hbm>> -> memref<80x128xi32, #tpu.memory_space<hbm>>
      tpu.enqueue_dma source(%dma_start3A_302 : memref<80x128xi32, #tpu.memory_space<hbm>>) target(%arg4 : memref<80x128xi32, #tpu.memory_space<vmem>>) target_semaphore(%run_scoped3A : memref<!tpu.dma_semaphore, #tpu.memory_space<semaphore_mem>>)
      %dma_wait3A = arith.constant 0 : i32
      %dma_wait3A_303 = tpu.memref_slice %arg2[%mul3A_290, %dma_wait3A] : memref<2560x128xi32, #tpu.memory_space<hbm>> -> memref<80x128xi32, #tpu.memory_space<hbm>>
      %dma_wait3A_304 = arith.constant 0 : i32
      %dma_wait3A_305 = tpu.memref_slice %arg2[%mul3A_290, %dma_wait3A_304] : memref<2560x128xi32, #tpu.memory_space<hbm>> -> memref<80x128xi32, #tpu.memory_space<hbm>>
      tpu.wait_dma2 semaphore(%run_scoped3A : memref<!tpu.dma_semaphore, #tpu.memory_space<semaphore_mem>>) src(%dma_wait3A_305 : memref<80x128xi32, #tpu.memory_space<hbm>>) dst(%arg4 : memref<80x128xi32, #tpu.memory_space<vmem>>)
      tpu.yield
    }) : () -> ()
    %barrier3A = arith.constant 0 : index
    tpu.barrier barrier_id(%barrier3A)
    %scan3A = arith.constant 0 : i32
    %scan3A_291 = arith.constant 0 : i32
    %scan3A_292 = arith.constant 10 : i32
    %scan3A_293 = arith.addi %scan3A_291, %scan3A_292 : i32
    %scan3A_294 = arith.constant 1 : i32
    scf.for %scan3A_300 = %scan3A_291 to %scan3A_293 step %scan3A_294  : i32 {
      %mul3A_301 = arith.constant 8 : i32
      %mul3A_302 = arith.muli %scan3A_300, %mul3A_301 : i32
      %add3A_303 = arith.constant 0 : i32
      %add3A_304 = arith.addi %mul3A_302, %add3A_303 : i32
      %dma_start3A = arith.constant 0 : i32
      %dma_start3A_305 = tpu.memref_slice %arg4[%add3A_304, %dma_start3A] : memref<80x128xi32, #tpu.memory_space<vmem>> -> memref<1x128xi32, #tpu.memory_space<vmem>>
      %dma_start3A_306 = tpu.memref_squeeze %dma_start3A_305 : memref<1x128xi32, #tpu.memory_space<vmem>> -> memref<128xi32, #tpu.memory_space<vmem>>
      %dma_start3A_307 = arith.constant 0 : i32
      %dma_start3A_308 = tpu.memref_slice %arg8[%dma_start3A_307] : memref<10240xf32, #tpu.memory_space<vmem_shared>> -> memref<10240xf32, #tpu.memory_space<vmem_shared>>
      tpu.enqueue_indirect_dma source(%arg5 : memref<128xf32, #tpu.memory_space<vmem>>) target(%dma_start3A_308 : memref<10240xf32, #tpu.memory_space<vmem_shared>>) offsets(%dma_start3A_306 : memref<128xi32, #tpu.memory_space<vmem>>) semaphore(%arg7 : memref<!tpu.dma_semaphore, #tpu.memory_space<semaphore_mem>>) {add = true}
      %add3A_309 = arith.constant 1 : i32
      %add3A_310 = arith.addi %mul3A_302, %add3A_309 : i32
      %dma_start3A_311 = arith.constant 0 : i32
      %dma_start3A_312 = tpu.memref_slice %arg4[%add3A_310, %dma_start3A_311] : memref<80x128xi32, #tpu.memory_space<vmem>> -> memref<1x128xi32, #tpu.memory_space<vmem>>
      %dma_start3A_313 = tpu.memref_squeeze %dma_start3A_312 : memref<1x128xi32, #tpu.memory_space<vmem>> -> memref<128xi32, #tpu.memory_space<vmem>>
      %dma_start3A_314 = arith.constant 0 : i32
      %dma_start3A_315 = tpu.memref_slice %arg8[%dma_start3A_314] : memref<10240xf32, #tpu.memory_space<vmem_shared>> -> memref<10240xf32, #tpu.memory_space<vmem_shared>>
      tpu.enqueue_indirect_dma source(%arg5 : memref<128xf32, #tpu.memory_space<vmem>>) target(%dma_start3A_315 : memref<10240xf32, #tpu.memory_space<vmem_shared>>) offsets(%dma_start3A_313 : memref<128xi32, #tpu.memory_space<vmem>>) semaphore(%arg7 : memref<!tpu.dma_semaphore, #tpu.memory_space<semaphore_mem>>) {add = true}
      %add3A_316 = arith.constant 2 : i32
      %add3A_317 = arith.addi %mul3A_302, %add3A_316 : i32
      %dma_start3A_318 = arith.constant 0 : i32
      %dma_start3A_319 = tpu.memref_slice %arg4[%add3A_317, %dma_start3A_318] : memref<80x128xi32, #tpu.memory_space<vmem>> -> memref<1x128xi32, #tpu.memory_space<vmem>>
      %dma_start3A_320 = tpu.memref_squeeze %dma_start3A_319 : memref<1x128xi32, #tpu.memory_space<vmem>> -> memref<128xi32, #tpu.memory_space<vmem>>
      %dma_start3A_321 = arith.constant 0 : i32
      %dma_start3A_322 = tpu.memref_slice %arg8[%dma_start3A_321] : memref<10240xf32, #tpu.memory_space<vmem_shared>> -> memref<10240xf32, #tpu.memory_space<vmem_shared>>
      tpu.enqueue_indirect_dma source(%arg5 : memref<128xf32, #tpu.memory_space<vmem>>) target(%dma_start3A_322 : memref<10240xf32, #tpu.memory_space<vmem_shared>>) offsets(%dma_start3A_320 : memref<128xi32, #tpu.memory_space<vmem>>) semaphore(%arg7 : memref<!tpu.dma_semaphore, #tpu.memory_space<semaphore_mem>>) {add = true}
      %add3A_323 = arith.constant 3 : i32
      %add3A_324 = arith.addi %mul3A_302, %add3A_323 : i32
      %dma_start3A_325 = arith.constant 0 : i32
      %dma_start3A_326 = tpu.memref_slice %arg4[%add3A_324, %dma_start3A_325] : memref<80x128xi32, #tpu.memory_space<vmem>> -> memref<1x128xi32, #tpu.memory_space<vmem>>
      %dma_start3A_327 = tpu.memref_squeeze %dma_start3A_326 : memref<1x128xi32, #tpu.memory_space<vmem>> -> memref<128xi32, #tpu.memory_space<vmem>>
      %dma_start3A_328 = arith.constant 0 : i32
      %dma_start3A_329 = tpu.memref_slice %arg8[%dma_start3A_328] : memref<10240xf32, #tpu.memory_space<vmem_shared>> -> memref<10240xf32, #tpu.memory_space<vmem_shared>>
      tpu.enqueue_indirect_dma source(%arg5 : memref<128xf32, #tpu.memory_space<vmem>>) target(%dma_start3A_329 : memref<10240xf32, #tpu.memory_space<vmem_shared>>) offsets(%dma_start3A_327 : memref<128xi32, #tpu.memory_space<vmem>>) semaphore(%arg7 : memref<!tpu.dma_semaphore, #tpu.memory_space<semaphore_mem>>) {add = true}
      %add3A_330 = arith.constant 4 : i32
      %add3A_331 = arith.addi %mul3A_302, %add3A_330 : i32
      %dma_start3A_332 = arith.constant 0 : i32
      %dma_start3A_333 = tpu.memref_slice %arg4[%add3A_331, %dma_start3A_332] : memref<80x128xi32, #tpu.memory_space<vmem>> -> memref<1x128xi32, #tpu.memory_space<vmem>>
      %dma_start3A_334 = tpu.memref_squeeze %dma_start3A_333 : memref<1x128xi32, #tpu.memory_space<vmem>> -> memref<128xi32, #tpu.memory_space<vmem>>
      %dma_start3A_335 = arith.constant 0 : i32
      %dma_start3A_336 = tpu.memref_slice %arg8[%dma_start3A_335] : memref<10240xf32, #tpu.memory_space<vmem_shared>> -> memref<10240xf32, #tpu.memory_space<vmem_shared>>
      tpu.enqueue_indirect_dma source(%arg5 : memref<128xf32, #tpu.memory_space<vmem>>) target(%dma_start3A_336 : memref<10240xf32, #tpu.memory_space<vmem_shared>>) offsets(%dma_start3A_334 : memref<128xi32, #tpu.memory_space<vmem>>) semaphore(%arg7 : memref<!tpu.dma_semaphore, #tpu.memory_space<semaphore_mem>>) {add = true}
      %add3A_337 = arith.constant 5 : i32
      %add3A_338 = arith.addi %mul3A_302, %add3A_337 : i32
      %dma_start3A_339 = arith.constant 0 : i32
      %dma_start3A_340 = tpu.memref_slice %arg4[%add3A_338, %dma_start3A_339] : memref<80x128xi32, #tpu.memory_space<vmem>> -> memref<1x128xi32, #tpu.memory_space<vmem>>
      %dma_start3A_341 = tpu.memref_squeeze %dma_start3A_340 : memref<1x128xi32, #tpu.memory_space<vmem>> -> memref<128xi32, #tpu.memory_space<vmem>>
      %dma_start3A_342 = arith.constant 0 : i32
      %dma_start3A_343 = tpu.memref_slice %arg8[%dma_start3A_342] : memref<10240xf32, #tpu.memory_space<vmem_shared>> -> memref<10240xf32, #tpu.memory_space<vmem_shared>>
      tpu.enqueue_indirect_dma source(%arg5 : memref<128xf32, #tpu.memory_space<vmem>>) target(%dma_start3A_343 : memref<10240xf32, #tpu.memory_space<vmem_shared>>) offsets(%dma_start3A_341 : memref<128xi32, #tpu.memory_space<vmem>>) semaphore(%arg7 : memref<!tpu.dma_semaphore, #tpu.memory_space<semaphore_mem>>) {add = true}
      %add3A_344 = arith.constant 6 : i32
      %add3A_345 = arith.addi %mul3A_302, %add3A_344 : i32
      %dma_start3A_346 = arith.constant 0 : i32
      %dma_start3A_347 = tpu.memref_slice %arg4[%add3A_345, %dma_start3A_346] : memref<80x128xi32, #tpu.memory_space<vmem>> -> memref<1x128xi32, #tpu.memory_space<vmem>>
      %dma_start3A_348 = tpu.memref_squeeze %dma_start3A_347 : memref<1x128xi32, #tpu.memory_space<vmem>> -> memref<128xi32, #tpu.memory_space<vmem>>
      %dma_start3A_349 = arith.constant 0 : i32
      %dma_start3A_350 = tpu.memref_slice %arg8[%dma_start3A_349] : memref<10240xf32, #tpu.memory_space<vmem_shared>> -> memref<10240xf32, #tpu.memory_space<vmem_shared>>
      tpu.enqueue_indirect_dma source(%arg5 : memref<128xf32, #tpu.memory_space<vmem>>) target(%dma_start3A_350 : memref<10240xf32, #tpu.memory_space<vmem_shared>>) offsets(%dma_start3A_348 : memref<128xi32, #tpu.memory_space<vmem>>) semaphore(%arg7 : memref<!tpu.dma_semaphore, #tpu.memory_space<semaphore_mem>>) {add = true}
      %add3A_351 = arith.constant 7 : i32
      %add3A_352 = arith.addi %mul3A_302, %add3A_351 : i32
      %dma_start3A_353 = arith.constant 0 : i32
      %dma_start3A_354 = tpu.memref_slice %arg4[%add3A_352, %dma_start3A_353] : memref<80x128xi32, #tpu.memory_space<vmem>> -> memref<1x128xi32, #tpu.memory_space<vmem>>
      %dma_start3A_355 = tpu.memref_squeeze %dma_start3A_354 : memref<1x128xi32, #tpu.memory_space<vmem>> -> memref<128xi32, #tpu.memory_space<vmem>>
      %dma_start3A_356 = arith.constant 0 : i32
      %dma_start3A_357 = tpu.memref_slice %arg8[%dma_start3A_356] : memref<10240xf32, #tpu.memory_space<vmem_shared>> -> memref<10240xf32, #tpu.memory_space<vmem_shared>>
      tpu.enqueue_indirect_dma source(%arg5 : memref<128xf32, #tpu.memory_space<vmem>>) target(%dma_start3A_357 : memref<10240xf32, #tpu.memory_space<vmem_shared>>) offsets(%dma_start3A_355 : memref<128xi32, #tpu.memory_space<vmem>>) semaphore(%arg7 : memref<!tpu.dma_semaphore, #tpu.memory_space<semaphore_mem>>) {add = true}
      %add3A_358 = arith.constant 0 : i32
      %add3A_359 = arith.addi %mul3A_302, %add3A_358 : i32
      %dma_wait3A = arith.constant 0 : i32
      %dma_wait3A_360 = tpu.memref_slice %arg4[%add3A_359, %dma_wait3A] : memref<80x128xi32, #tpu.memory_space<vmem>> -> memref<1x128xi32, #tpu.memory_space<vmem>>
      %dma_wait3A_361 = tpu.memref_squeeze %dma_wait3A_360 : memref<1x128xi32, #tpu.memory_space<vmem>> -> memref<128xi32, #tpu.memory_space<vmem>>
      %dma_wait3A_362 = arith.constant 0 : i32
      %dma_wait3A_363 = tpu.memref_slice %arg8[%dma_wait3A_362] : memref<10240xf32, #tpu.memory_space<vmem_shared>> -> memref<10240xf32, #tpu.memory_space<vmem_shared>>
      tpu.wait_indirect_dma semaphore(%arg7 : memref<!tpu.dma_semaphore, #tpu.memory_space<semaphore_mem>>) src(%arg5 : memref<128xf32, #tpu.memory_space<vmem>>) dst(%dma_wait3A_363 : memref<10240xf32, #tpu.memory_space<vmem_shared>>)
      %add3A_364 = arith.constant 1 : i32
      %add3A_365 = arith.addi %mul3A_302, %add3A_364 : i32
      %dma_wait3A_366 = arith.constant 0 : i32
      %dma_wait3A_367 = tpu.memref_slice %arg4[%add3A_365, %dma_wait3A_366] : memref<80x128xi32, #tpu.memory_space<vmem>> -> memref<1x128xi32, #tpu.memory_space<vmem>>
      %dma_wait3A_368 = tpu.memref_squeeze %dma_wait3A_367 : memref<1x128xi32, #tpu.memory_space<vmem>> -> memref<128xi32, #tpu.memory_space<vmem>>
      %dma_wait3A_369 = arith.constant 0 : i32
      %dma_wait3A_370 = tpu.memref_slice %arg8[%dma_wait3A_369] : memref<10240xf32, #tpu.memory_space<vmem_shared>> -> memref<10240xf32, #tpu.memory_space<vmem_shared>>
      tpu.wait_indirect_dma semaphore(%arg7 : memref<!tpu.dma_semaphore, #tpu.memory_space<semaphore_mem>>) src(%arg5 : memref<128xf32, #tpu.memory_space<vmem>>) dst(%dma_wait3A_370 : memref<10240xf32, #tpu.memory_space<vmem_shared>>)
      %add3A_371 = arith.constant 2 : i32
      %add3A_372 = arith.addi %mul3A_302, %add3A_371 : i32
      %dma_wait3A_373 = arith.constant 0 : i32
      %dma_wait3A_374 = tpu.memref_slice %arg4[%add3A_372, %dma_wait3A_373] : memref<80x128xi32, #tpu.memory_space<vmem>> -> memref<1x128xi32, #tpu.memory_space<vmem>>
      %dma_wait3A_375 = tpu.memref_squeeze %dma_wait3A_374 : memref<1x128xi32, #tpu.memory_space<vmem>> -> memref<128xi32, #tpu.memory_space<vmem>>
      %dma_wait3A_376 = arith.constant 0 : i32
      %dma_wait3A_377 = tpu.memref_slice %arg8[%dma_wait3A_376] : memref<10240xf32, #tpu.memory_space<vmem_shared>> -> memref<10240xf32, #tpu.memory_space<vmem_shared>>
      tpu.wait_indirect_dma semaphore(%arg7 : memref<!tpu.dma_semaphore, #tpu.memory_space<semaphore_mem>>) src(%arg5 : memref<128xf32, #tpu.memory_space<vmem>>) dst(%dma_wait3A_377 : memref<10240xf32, #tpu.memory_space<vmem_shared>>)
      %add3A_378 = arith.constant 3 : i32
      %add3A_379 = arith.addi %mul3A_302, %add3A_378 : i32
      %dma_wait3A_380 = arith.constant 0 : i32
      %dma_wait3A_381 = tpu.memref_slice %arg4[%add3A_379, %dma_wait3A_380] : memref<80x128xi32, #tpu.memory_space<vmem>> -> memref<1x128xi32, #tpu.memory_space<vmem>>
      %dma_wait3A_382 = tpu.memref_squeeze %dma_wait3A_381 : memref<1x128xi32, #tpu.memory_space<vmem>> -> memref<128xi32, #tpu.memory_space<vmem>>
      %dma_wait3A_383 = arith.constant 0 : i32
      %dma_wait3A_384 = tpu.memref_slice %arg8[%dma_wait3A_383] : memref<10240xf32, #tpu.memory_space<vmem_shared>> -> memref<10240xf32, #tpu.memory_space<vmem_shared>>
      tpu.wait_indirect_dma semaphore(%arg7 : memref<!tpu.dma_semaphore, #tpu.memory_space<semaphore_mem>>) src(%arg5 : memref<128xf32, #tpu.memory_space<vmem>>) dst(%dma_wait3A_384 : memref<10240xf32, #tpu.memory_space<vmem_shared>>)
      %add3A_385 = arith.constant 4 : i32
      %add3A_386 = arith.addi %mul3A_302, %add3A_385 : i32
      %dma_wait3A_387 = arith.constant 0 : i32
      %dma_wait3A_388 = tpu.memref_slice %arg4[%add3A_386, %dma_wait3A_387] : memref<80x128xi32, #tpu.memory_space<vmem>> -> memref<1x128xi32, #tpu.memory_space<vmem>>
      %dma_wait3A_389 = tpu.memref_squeeze %dma_wait3A_388 : memref<1x128xi32, #tpu.memory_space<vmem>> -> memref<128xi32, #tpu.memory_space<vmem>>
      %dma_wait3A_390 = arith.constant 0 : i32
      %dma_wait3A_391 = tpu.memref_slice %arg8[%dma_wait3A_390] : memref<10240xf32, #tpu.memory_space<vmem_shared>> -> memref<10240xf32, #tpu.memory_space<vmem_shared>>
      tpu.wait_indirect_dma semaphore(%arg7 : memref<!tpu.dma_semaphore, #tpu.memory_space<semaphore_mem>>) src(%arg5 : memref<128xf32, #tpu.memory_space<vmem>>) dst(%dma_wait3A_391 : memref<10240xf32, #tpu.memory_space<vmem_shared>>)
      %add3A_392 = arith.constant 5 : i32
      %add3A_393 = arith.addi %mul3A_302, %add3A_392 : i32
      %dma_wait3A_394 = arith.constant 0 : i32
      %dma_wait3A_395 = tpu.memref_slice %arg4[%add3A_393, %dma_wait3A_394] : memref<80x128xi32, #tpu.memory_space<vmem>> -> memref<1x128xi32, #tpu.memory_space<vmem>>
      %dma_wait3A_396 = tpu.memref_squeeze %dma_wait3A_395 : memref<1x128xi32, #tpu.memory_space<vmem>> -> memref<128xi32, #tpu.memory_space<vmem>>
      %dma_wait3A_397 = arith.constant 0 : i32
      %dma_wait3A_398 = tpu.memref_slice %arg8[%dma_wait3A_397] : memref<10240xf32, #tpu.memory_space<vmem_shared>> -> memref<10240xf32, #tpu.memory_space<vmem_shared>>
      tpu.wait_indirect_dma semaphore(%arg7 : memref<!tpu.dma_semaphore, #tpu.memory_space<semaphore_mem>>) src(%arg5 : memref<128xf32, #tpu.memory_space<vmem>>) dst(%dma_wait3A_398 : memref<10240xf32, #tpu.memory_space<vmem_shared>>)
      %add3A_399 = arith.constant 6 : i32
      %add3A_400 = arith.addi %mul3A_302, %add3A_399 : i32
      %dma_wait3A_401 = arith.constant 0 : i32
      %dma_wait3A_402 = tpu.memref_slice %arg4[%add3A_400, %dma_wait3A_401] : memref<80x128xi32, #tpu.memory_space<vmem>> -> memref<1x128xi32, #tpu.memory_space<vmem>>
      %dma_wait3A_403 = tpu.memref_squeeze %dma_wait3A_402 : memref<1x128xi32, #tpu.memory_space<vmem>> -> memref<128xi32, #tpu.memory_space<vmem>>
      %dma_wait3A_404 = arith.constant 0 : i32
      %dma_wait3A_405 = tpu.memref_slice %arg8[%dma_wait3A_404] : memref<10240xf32, #tpu.memory_space<vmem_shared>> -> memref<10240xf32, #tpu.memory_space<vmem_shared>>
      tpu.wait_indirect_dma semaphore(%arg7 : memref<!tpu.dma_semaphore, #tpu.memory_space<semaphore_mem>>) src(%arg5 : memref<128xf32, #tpu.memory_space<vmem>>) dst(%dma_wait3A_405 : memref<10240xf32, #tpu.memory_space<vmem_shared>>)
      %add3A_406 = arith.constant 7 : i32
      %add3A_407 = arith.addi %mul3A_302, %add3A_406 : i32
      %dma_wait3A_408 = arith.constant 0 : i32
      %dma_wait3A_409 = tpu.memref_slice %arg4[%add3A_407, %dma_wait3A_408] : memref<80x128xi32, #tpu.memory_space<vmem>> -> memref<1x128xi32, #tpu.memory_space<vmem>>
      %dma_wait3A_410 = tpu.memref_squeeze %dma_wait3A_409 : memref<1x128xi32, #tpu.memory_space<vmem>> -> memref<128xi32, #tpu.memory_space<vmem>>
      %dma_wait3A_411 = arith.constant 0 : i32
      %dma_wait3A_412 = tpu.memref_slice %arg8[%dma_wait3A_411] : memref<10240xf32, #tpu.memory_space<vmem_shared>> -> memref<10240xf32, #tpu.memory_space<vmem_shared>>
      tpu.wait_indirect_dma semaphore(%arg7 : memref<!tpu.dma_semaphore, #tpu.memory_space<semaphore_mem>>) src(%arg5 : memref<128xf32, #tpu.memory_space<vmem>>) dst(%dma_wait3A_412 : memref<10240xf32, #tpu.memory_space<vmem_shared>>)
    }
    %scan3A_295 = arith.constant 10 : i32
    %barrier3A_296 = arith.constant 0 : index
    tpu.barrier barrier_id(%barrier3A_296)
    %mul3A_297 = arith.constant 10240 : i32
    %mul3A_298 = arith.muli %arg0, %mul3A_297 : i32
    %add3A_299 = arith.addi %mul3A_298, %mul3A_288 : i32
    "tpu.region"() ({
      %run_scoped3A = tpu.sem_alloc : memref<!tpu.dma_semaphore, #tpu.memory_space<semaphore_mem>>
      %dma_start3A = tpu.memref_slice %arg3[%add3A_299] : memref<20480xf32, #tpu.memory_space<hbm>> -> memref<640xf32, #tpu.memory_space<hbm>>
      %dma_start3A_300 = tpu.memref_slice %arg8[%mul3A_288] : memref<10240xf32, #tpu.memory_space<vmem_shared>> -> memref<640xf32, #tpu.memory_space<vmem_shared>>
      tpu.enqueue_dma source(%dma_start3A_300 : memref<640xf32, #tpu.memory_space<vmem_shared>>) target(%dma_start3A : memref<640xf32, #tpu.memory_space<hbm>>) target_semaphore(%run_scoped3A : memref<!tpu.dma_semaphore, #tpu.memory_space<semaphore_mem>>)
      %dma_wait3A = tpu.memref_slice %arg3[%add3A_299] : memref<20480xf32, #tpu.memory_space<hbm>> -> memref<640xf32, #tpu.memory_space<hbm>>
      %dma_wait3A_301 = tpu.memref_slice %arg8[%mul3A_288] : memref<10240xf32, #tpu.memory_space<vmem_shared>> -> memref<640xf32, #tpu.memory_space<vmem_shared>>
      tpu.wait_dma2 semaphore(%run_scoped3A : memref<!tpu.dma_semaphore, #tpu.memory_space<semaphore_mem>>) src(%dma_wait3A_301 : memref<640xf32, #tpu.memory_space<vmem_shared>>) dst(%dma_wait3A : memref<640xf32, #tpu.memory_space<hbm>>)
      tpu.yield
    }) : () -> ()
    return
  }
}

module attributes {stable_mosaic.version = 14 : i64} {
  func.func @_scale_body(%arg0: i32, %arg1: memref<1000x128xf32, #tpu.memory_space<vmem>>, %arg2: memref<2x1000x1xf32, #tpu.memory_space<vmem>>, %arg3: memref<1000x128xf32, #tpu.memory_space<vmem>>) attributes {dimension_semantics = [#tpu.dimension_semantics<arbitrary>], iteration_bounds = array<i64: 10>, scalar_prefetch = 0 : i64, scratch_operands = 0 : i64, tpu.core_type = #tpu.core_type<tc>, window_params = [{transform_indices = @transform_0, window_bounds = array<i64: 1000, 128>}, {transform_indices = @transform_1, window_bounds = array<i64: 2, 1000, 1>}, {transform_indices = @transform_2, window_bounds = array<i64: 1000, 128>}]} {
    %get3A = arith.constant 0 : index
    %get3A_0 = arith.constant 0 : index
    %get3A_1 = arith.constant 0 : index
    %get3A_2 = vector.load %arg2[%get3A, %get3A_0, %get3A_1] : memref<2x1000x1xf32, #tpu.memory_space<vmem>>, vector<1x1000x1xf32>
    %get3A_3 = vector.shape_cast %get3A_2 : vector<1x1000x1xf32> to vector<1000x1xf32>
    %add3A = arith.constant 1.000000e+00 : f32
    %add3A_4 = vector.broadcast %add3A : f32 to vector<1000x1xf32>
    %add3A_5 = arith.addf %add3A_4, %get3A_3 : vector<1000x1xf32>
    %get3A_6 = arith.constant 1 : index
    %get3A_7 = arith.constant 0 : index
    %get3A_8 = arith.constant 0 : index
    %get3A_9 = vector.load %arg2[%get3A_6, %get3A_7, %get3A_8] : memref<2x1000x1xf32, #tpu.memory_space<vmem>>, vector<1x1000x1xf32>
    %get3A_10 = vector.shape_cast %get3A_9 : vector<1x1000x1xf32> to vector<1000x1xf32>
    %add3A_11 = arith.addf %add3A_5, %get3A_10 : vector<1000x1xf32>
    %rsqrt3A = math.rsqrt %add3A_11 : vector<1000x1xf32>
    %get3A_12 = arith.constant 0 : index
    %get3A_13 = arith.constant 0 : index
    %get3A_14 = vector.load %arg1[%get3A_12, %get3A_13] : memref<1000x128xf32, #tpu.memory_space<vmem>>, vector<1000x128xf32>
    %mul3A = vector.broadcast %rsqrt3A : vector<1000x1xf32> to vector<1000x128xf32>
    %mul3A_15 = arith.mulf %get3A_14, %mul3A : vector<1000x128xf32>
    %swap3A = arith.constant 0 : index
    %swap3A_16 = arith.constant 0 : index
    %swap3A_17 = vector.load %arg3[%swap3A, %swap3A_16] : memref<1000x128xf32, #tpu.memory_space<vmem>>, vector<1000x128xf32>
    tpu.vector_store %arg3[%swap3A, %swap3A_16], %mul3A_15 {strides = array<i32>} : memref<1000x128xf32, #tpu.memory_space<vmem>>, vector<1000x128xf32>,
    return
  }
  func.func @transform_0(%arg0: i32) -> (i32, i32) {
    %c0_i32 = arith.constant 0 : i32
    %c0_i32_0 = arith.constant 0 : i32
    return %arg0, %c0_i32 : i32, i32
  }
  func.func @transform_1(%arg0: i32) -> (i32, i32, i32) {
    %c0_i32 = arith.constant 0 : i32
    %c0_i32_0 = arith.constant 0 : i32
    %c0_i32_1 = arith.constant 0 : i32
    return %c0_i32, %arg0, %c0_i32_0 : i32, i32, i32
  }
  func.func @transform_2(%arg0: i32) -> (i32, i32) {
    %c0_i32 = arith.constant 0 : i32
    %c0_i32_0 = arith.constant 0 : i32
    return %arg0, %c0_i32 : i32, i32
  }
}

module attributes {stable_mosaic.version = 14 : i64} {
  func.func @_final_body(%arg0: i32, %arg1: memref<2x1000x128xf32, #tpu.memory_space<vmem>>, %arg2: memref<1000x128xf32, #tpu.memory_space<vmem>>, %arg3: memref<2x1000x1xf32, #tpu.memory_space<vmem>>, %arg4: memref<128x128xf32, #tpu.memory_space<vmem>>, %arg5: memref<4x1000x128xf32, #tpu.memory_space<vmem>>, %arg6: memref<4x1000x128xf32, #tpu.memory_space<vmem>>) attributes {dimension_semantics = [#tpu.dimension_semantics<arbitrary>], iteration_bounds = array<i64: 10>, scalar_prefetch = 0 : i64, scratch_operands = 0 : i64, tpu.core_type = #tpu.core_type<tc>, window_params = [{transform_indices = @transform_0, window_bounds = array<i64: 2, 1000, 128>}, {transform_indices = @transform_1, window_bounds = array<i64: 1000, 128>}, {transform_indices = @transform_2, window_bounds = array<i64: 2, 1000, 1>}, {pipeline_mode = #tpu.pipeline_mode<synchronous>, transform_indices = @transform_3, window_bounds = array<i64: 128, 128>}, {transform_indices = @transform_4, window_bounds = array<i64: 4, 1000, 128>}, {transform_indices = @transform_5, window_bounds = array<i64: 4, 1000, 128>}]} {
    %get3A = arith.constant 0 : index
    %get3A_0 = arith.constant 0 : index
    %get3A_1 = arith.constant 0 : index
    %get3A_2 = vector.load %arg3[%get3A, %get3A_0, %get3A_1] : memref<2x1000x1xf32, #tpu.memory_space<vmem>>, vector<1x1000x1xf32>
    %get3A_3 = vector.shape_cast %get3A_2 : vector<1x1000x1xf32> to vector<1000x1xf32>
    %add3A = arith.constant 1.000000e+00 : f32
    %add3A_4 = vector.broadcast %add3A : f32 to vector<1000x1xf32>
    %add3A_5 = arith.addf %add3A_4, %get3A_3 : vector<1000x1xf32>
    %get3A_6 = arith.constant 1 : index
    %get3A_7 = arith.constant 0 : index
    %get3A_8 = arith.constant 0 : index
    %get3A_9 = vector.load %arg3[%get3A_6, %get3A_7, %get3A_8] : memref<2x1000x1xf32, #tpu.memory_space<vmem>>, vector<1x1000x1xf32>
    %get3A_10 = vector.shape_cast %get3A_9 : vector<1x1000x1xf32> to vector<1000x1xf32>
    %add3A_11 = arith.addf %add3A_5, %get3A_10 : vector<1000x1xf32>
    %rsqrt3A = math.rsqrt %add3A_11 : vector<1000x1xf32>
    %get3A_12 = arith.constant 0 : index
    %get3A_13 = arith.constant 0 : index
    %get3A_14 = arith.constant 0 : index
    %get3A_15 = vector.load %arg1[%get3A_12, %get3A_13, %get3A_14] : memref<2x1000x128xf32, #tpu.memory_space<vmem>>, vector<1x1000x128xf32>
    %get3A_16 = vector.shape_cast %get3A_15 : vector<1x1000x128xf32> to vector<1000x128xf32>
    %get3A_17 = arith.constant 1 : index
    %get3A_18 = arith.constant 0 : index
    %get3A_19 = arith.constant 0 : index
    %get3A_20 = vector.load %arg1[%get3A_17, %get3A_18, %get3A_19] : memref<2x1000x128xf32, #tpu.memory_space<vmem>>, vector<1x1000x128xf32>
    %get3A_21 = vector.shape_cast %get3A_20 : vector<1x1000x128xf32> to vector<1000x128xf32>
    %add3A_22 = arith.addf %get3A_16, %get3A_21 : vector<1000x128xf32>
    %mul3A = vector.broadcast %rsqrt3A : vector<1000x1xf32> to vector<1000x128xf32>
    %mul3A_23 = arith.mulf %mul3A, %add3A_22 : vector<1000x128xf32>
    %mul3A_24 = arith.mulf %rsqrt3A, %rsqrt3A : vector<1000x1xf32>
    %get3A_25 = arith.constant 0 : index
    %get3A_26 = arith.constant 0 : index
    %get3A_27 = vector.load %arg2[%get3A_25, %get3A_26] : memref<1000x128xf32, #tpu.memory_space<vmem>>, vector<1000x128xf32>
    %mul3A_28 = vector.broadcast %mul3A_24 : vector<1000x1xf32> to vector<1000x128xf32>
    %mul3A_29 = arith.mulf %mul3A_28, %get3A_27 : vector<1000x128xf32>
    %add3A_30 = arith.addf %mul3A_23, %mul3A_29 : vector<1000x128xf32>
    %get3A_31 = arith.constant 0 : index
    %get3A_32 = arith.constant 0 : index
    %get3A_33 = vector.load %arg4[%get3A_31, %get3A_32] : memref<128x128xf32, #tpu.memory_space<vmem>>, vector<128x128xf32>
    %dot_general3A = arith.constant dense<0.000000e+00> : vector<1000x128xf32>
    %dot_general3A_34 = tpu.matmul %add3A_30, %get3A_33, %dot_general3A {dimension_numbers = #tpu.dot_dimension_numbers<[1], [0], [0], [1], [0, 0, 1, 1], [], []>, transpose_lhs_hint = false} : vector<1000x128xf32>, vector<128x128xf32>, vector<1000x128xf32> -> vector<1000x128xf32>
    %mul3A_35 = arith.constant 1.000000e-01 : f32
    %mul3A_36 = vector.broadcast %mul3A_35 : f32 to vector<1000x128xf32>
    %mul3A_37 = arith.mulf %dot_general3A_34, %mul3A_36 : vector<1000x128xf32>
    %broadcast_in_dim3A = arith.constant 0.000000e+00 : f32
    %broadcast_in_dim3A_38 = vector.broadcast %broadcast_in_dim3A : f32 to vector<1000x128xf32>
    %broadcast_in_dim3A_39 = arith.constant 0.000000e+00 : f32
    %broadcast_in_dim3A_40 = vector.broadcast %broadcast_in_dim3A_39 : f32 to vector<1000x128xf32>
    %sub3A = arith.subf %dot_general3A_34, %broadcast_in_dim3A_38 : vector<1000x128xf32>
    %mul3A_41 = arith.constant 5.000000e-01 : f32
    %mul3A_42 = vector.broadcast %mul3A_41 : f32 to vector<1000x128xf32>
    %mul3A_43 = arith.mulf %sub3A, %mul3A_42 : vector<1000x128xf32>
    %add3A_44 = arith.addf %broadcast_in_dim3A_38, %mul3A_43 : vector<1000x128xf32>
    %ge3A = arith.constant 1.000000e+00 : f32
    %ge3A_45 = vector.broadcast %ge3A : f32 to vector<1000x128xf32>
    %ge3A_46 = arith.cmpf oge, %add3A_44, %ge3A_45 : vector<1000x128xf32>
    %convert_element_type3A = arith.extui %ge3A_46 : vector<1000x128xi1> to vector<1000x128xi32>
    %convert_element_type3A_47 = arith.sitofp %convert_element_type3A : vector<1000x128xi32> to vector<1000x128xf32>
    %mul3A_48 = arith.constant 0.949999988 : f32
    %mul3A_49 = vector.broadcast %mul3A_48 : f32 to vector<1000x128xf32>
    %mul3A_50 = arith.mulf %convert_element_type3A_47, %mul3A_49 : vector<1000x128xf32>
    %sub3A_51 = arith.subf %add3A_44, %mul3A_50 : vector<1000x128xf32>
    %mul3A_52 = arith.mulf %mul3A_37, %convert_element_type3A_47 : vector<1000x128xf32>
    %add3A_53 = arith.addf %broadcast_in_dim3A_40, %mul3A_52 : vector<1000x128xf32>
    %swap3A = arith.constant 0 : index
    %swap3A_54 = arith.constant 0 : index
    %swap3A_55 = arith.constant 0 : index
    %swap3A_56 = vector.load %arg5[%swap3A, %swap3A_54, %swap3A_55] : memref<4x1000x128xf32, #tpu.memory_space<vmem>>, vector<1x1000x128xf32>
    %swap3A_57 = vector.shape_cast %swap3A_56 : vector<1x1000x128xf32> to vector<1000x128xf32>
    %swap3A_58 = vector.shape_cast %convert_element_type3A_47 : vector<1000x128xf32> to vector<1x1000x128xf32>
    tpu.vector_store %arg5[%swap3A, %swap3A_54, %swap3A_55], %swap3A_58 {strides = array<i32>} : memref<4x1000x128xf32, #tpu.memory_space<vmem>>, vector<1x1000x128xf32>,
    %swap3A_59 = arith.constant 0 : index
    %swap3A_60 = arith.constant 0 : index
    %swap3A_61 = arith.constant 0 : index
    %swap3A_62 = vector.load %arg6[%swap3A_59, %swap3A_60, %swap3A_61] : memref<4x1000x128xf32, #tpu.memory_space<vmem>>, vector<1x1000x128xf32>
    %swap3A_63 = vector.shape_cast %swap3A_62 : vector<1x1000x128xf32> to vector<1000x128xf32>
    %swap3A_64 = vector.shape_cast %add3A_53 : vector<1000x128xf32> to vector<1x1000x128xf32>
    tpu.vector_store %arg6[%swap3A_59, %swap3A_60, %swap3A_61], %swap3A_64 {strides = array<i32>} : memref<4x1000x128xf32, #tpu.memory_space<vmem>>, vector<1x1000x128xf32>,
    %sub3A_65 = arith.subf %dot_general3A_34, %sub3A_51 : vector<1000x128xf32>
    %mul3A_66 = arith.constant 5.000000e-01 : f32
    %mul3A_67 = vector.broadcast %mul3A_66 : f32 to vector<1000x128xf32>
    %mul3A_68 = arith.mulf %sub3A_65, %mul3A_67 : vector<1000x128xf32>
    %add3A_69 = arith.addf %sub3A_51, %mul3A_68 : vector<1000x128xf32>
    %ge3A_70 = arith.constant 1.000000e+00 : f32
    %ge3A_71 = vector.broadcast %ge3A_70 : f32 to vector<1000x128xf32>
    %ge3A_72 = arith.cmpf oge, %add3A_69, %ge3A_71 : vector<1000x128xf32>
    %convert_element_type3A_73 = arith.extui %ge3A_72 : vector<1000x128xi1> to vector<1000x128xi32>
    %convert_element_type3A_74 = arith.sitofp %convert_element_type3A_73 : vector<1000x128xi32> to vector<1000x128xf32>
    %mul3A_75 = arith.constant 0.949999988 : f32
    %mul3A_76 = vector.broadcast %mul3A_75 : f32 to vector<1000x128xf32>
    %mul3A_77 = arith.mulf %convert_element_type3A_74, %mul3A_76 : vector<1000x128xf32>
    %sub3A_78 = arith.subf %add3A_69, %mul3A_77 : vector<1000x128xf32>
    %mul3A_79 = arith.mulf %mul3A_37, %convert_element_type3A_74 : vector<1000x128xf32>
    %add3A_80 = arith.addf %add3A_53, %mul3A_79 : vector<1000x128xf32>
    %swap3A_81 = arith.constant 1 : index
    %swap3A_82 = arith.constant 0 : index
    %swap3A_83 = arith.constant 0 : index
    %swap3A_84 = vector.load %arg5[%swap3A_81, %swap3A_82, %swap3A_83] : memref<4x1000x128xf32, #tpu.memory_space<vmem>>, vector<1x1000x128xf32>
    %swap3A_85 = vector.shape_cast %swap3A_84 : vector<1x1000x128xf32> to vector<1000x128xf32>
    %swap3A_86 = vector.shape_cast %convert_element_type3A_74 : vector<1000x128xf32> to vector<1x1000x128xf32>
    tpu.vector_store %arg5[%swap3A_81, %swap3A_82, %swap3A_83], %swap3A_86 {strides = array<i32>} : memref<4x1000x128xf32, #tpu.memory_space<vmem>>, vector<1x1000x128xf32>,
    %swap3A_87 = arith.constant 1 : index
    %swap3A_88 = arith.constant 0 : index
    %swap3A_89 = arith.constant 0 : index
    %swap3A_90 = vector.load %arg6[%swap3A_87, %swap3A_88, %swap3A_89] : memref<4x1000x128xf32, #tpu.memory_space<vmem>>, vector<1x1000x128xf32>
    %swap3A_91 = vector.shape_cast %swap3A_90 : vector<1x1000x128xf32> to vector<1000x128xf32>
    %swap3A_92 = vector.shape_cast %add3A_80 : vector<1000x128xf32> to vector<1x1000x128xf32>
    tpu.vector_store %arg6[%swap3A_87, %swap3A_88, %swap3A_89], %swap3A_92 {strides = array<i32>} : memref<4x1000x128xf32, #tpu.memory_space<vmem>>, vector<1x1000x128xf32>,
    %sub3A_93 = arith.subf %dot_general3A_34, %sub3A_78 : vector<1000x128xf32>
    %mul3A_94 = arith.constant 5.000000e-01 : f32
    %mul3A_95 = vector.broadcast %mul3A_94 : f32 to vector<1000x128xf32>
    %mul3A_96 = arith.mulf %sub3A_93, %mul3A_95 : vector<1000x128xf32>
    %add3A_97 = arith.addf %sub3A_78, %mul3A_96 : vector<1000x128xf32>
    %ge3A_98 = arith.constant 1.000000e+00 : f32
    %ge3A_99 = vector.broadcast %ge3A_98 : f32 to vector<1000x128xf32>
    %ge3A_100 = arith.cmpf oge, %add3A_97, %ge3A_99 : vector<1000x128xf32>
    %convert_element_type3A_101 = arith.extui %ge3A_100 : vector<1000x128xi1> to vector<1000x128xi32>
    %convert_element_type3A_102 = arith.sitofp %convert_element_type3A_101 : vector<1000x128xi32> to vector<1000x128xf32>
    %mul3A_103 = arith.constant 0.949999988 : f32
    %mul3A_104 = vector.broadcast %mul3A_103 : f32 to vector<1000x128xf32>
    %mul3A_105 = arith.mulf %convert_element_type3A_102, %mul3A_104 : vector<1000x128xf32>
    %sub3A_106 = arith.subf %add3A_97, %mul3A_105 : vector<1000x128xf32>
    %mul3A_107 = arith.mulf %mul3A_37, %convert_element_type3A_102 : vector<1000x128xf32>
    %add3A_108 = arith.addf %add3A_80, %mul3A_107 : vector<1000x128xf32>
    %swap3A_109 = arith.constant 2 : index
    %swap3A_110 = arith.constant 0 : index
    %swap3A_111 = arith.constant 0 : index
    %swap3A_112 = vector.load %arg5[%swap3A_109, %swap3A_110, %swap3A_111] : memref<4x1000x128xf32, #tpu.memory_space<vmem>>, vector<1x1000x128xf32>
    %swap3A_113 = vector.shape_cast %swap3A_112 : vector<1x1000x128xf32> to vector<1000x128xf32>
    %swap3A_114 = vector.shape_cast %convert_element_type3A_102 : vector<1000x128xf32> to vector<1x1000x128xf32>
    tpu.vector_store %arg5[%swap3A_109, %swap3A_110, %swap3A_111], %swap3A_114 {strides = array<i32>} : memref<4x1000x128xf32, #tpu.memory_space<vmem>>, vector<1x1000x128xf32>,
    %swap3A_115 = arith.constant 2 : index
    %swap3A_116 = arith.constant 0 : index
    %swap3A_117 = arith.constant 0 : index
    %swap3A_118 = vector.load %arg6[%swap3A_115, %swap3A_116, %swap3A_117] : memref<4x1000x128xf32, #tpu.memory_space<vmem>>, vector<1x1000x128xf32>
    %swap3A_119 = vector.shape_cast %swap3A_118 : vector<1x1000x128xf32> to vector<1000x128xf32>
    %swap3A_120 = vector.shape_cast %add3A_108 : vector<1000x128xf32> to vector<1x1000x128xf32>
    tpu.vector_store %arg6[%swap3A_115, %swap3A_116, %swap3A_117], %swap3A_120 {strides = array<i32>} : memref<4x1000x128xf32, #tpu.memory_space<vmem>>, vector<1x1000x128xf32>,
    %sub3A_121 = arith.subf %dot_general3A_34, %sub3A_106 : vector<1000x128xf32>
    %mul3A_122 = arith.constant 5.000000e-01 : f32
    %mul3A_123 = vector.broadcast %mul3A_122 : f32 to vector<1000x128xf32>
    %mul3A_124 = arith.mulf %sub3A_121, %mul3A_123 : vector<1000x128xf32>
    %add3A_125 = arith.addf %sub3A_106, %mul3A_124 : vector<1000x128xf32>
    %ge3A_126 = arith.constant 1.000000e+00 : f32
    %ge3A_127 = vector.broadcast %ge3A_126 : f32 to vector<1000x128xf32>
    %ge3A_128 = arith.cmpf oge, %add3A_125, %ge3A_127 : vector<1000x128xf32>
    %convert_element_type3A_129 = arith.extui %ge3A_128 : vector<1000x128xi1> to vector<1000x128xi32>
    %convert_element_type3A_130 = arith.sitofp %convert_element_type3A_129 : vector<1000x128xi32> to vector<1000x128xf32>
    %mul3A_131 = arith.mulf %mul3A_37, %convert_element_type3A_130 : vector<1000x128xf32>
    %add3A_132 = arith.addf %add3A_108, %mul3A_131 : vector<1000x128xf32>
    %swap3A_133 = arith.constant 3 : index
    %swap3A_134 = arith.constant 0 : index
    %swap3A_135 = arith.constant 0 : index
    %swap3A_136 = vector.load %arg5[%swap3A_133, %swap3A_134, %swap3A_135] : memref<4x1000x128xf32, #tpu.memory_space<vmem>>, vector<1x1000x128xf32>
    %swap3A_137 = vector.shape_cast %swap3A_136 : vector<1x1000x128xf32> to vector<1000x128xf32>
    %swap3A_138 = vector.shape_cast %convert_element_type3A_130 : vector<1000x128xf32> to vector<1x1000x128xf32>
    tpu.vector_store %arg5[%swap3A_133, %swap3A_134, %swap3A_135], %swap3A_138 {strides = array<i32>} : memref<4x1000x128xf32, #tpu.memory_space<vmem>>, vector<1x1000x128xf32>,
    %swap3A_139 = arith.constant 3 : index
    %swap3A_140 = arith.constant 0 : index
    %swap3A_141 = arith.constant 0 : index
    %swap3A_142 = vector.load %arg6[%swap3A_139, %swap3A_140, %swap3A_141] : memref<4x1000x128xf32, #tpu.memory_space<vmem>>, vector<1x1000x128xf32>
    %swap3A_143 = vector.shape_cast %swap3A_142 : vector<1x1000x128xf32> to vector<1000x128xf32>
    %swap3A_144 = vector.shape_cast %add3A_132 : vector<1000x128xf32> to vector<1x1000x128xf32>
    tpu.vector_store %arg6[%swap3A_139, %swap3A_140, %swap3A_141], %swap3A_144 {strides = array<i32>} : memref<4x1000x128xf32, #tpu.memory_space<vmem>>, vector<1x1000x128xf32>,
    return
  }
  func.func @transform_0(%arg0: i32) -> (i32, i32, i32) {
    %c0_i32 = arith.constant 0 : i32
    %c0_i32_0 = arith.constant 0 : i32
    %c0_i32_1 = arith.constant 0 : i32
    return %c0_i32, %arg0, %c0_i32_0 : i32, i32, i32
  }
  func.func @transform_1(%arg0: i32) -> (i32, i32) {
    %c0_i32 = arith.constant 0 : i32
    %c0_i32_0 = arith.constant 0 : i32
    return %arg0, %c0_i32 : i32, i32
  }
  func.func @transform_2(%arg0: i32) -> (i32, i32, i32) {
    %c0_i32 = arith.constant 0 : i32
    %c0_i32_0 = arith.constant 0 : i32
    %c0_i32_1 = arith.constant 0 : i32
    return %c0_i32, %arg0, %c0_i32_0 : i32, i32, i32
  }
  func.func @transform_3(%arg0: i32) -> (i32, i32) {
    %c0_i32 = arith.constant 0 : i32
    %c0_i32_0 = arith.constant 0 : i32
    %c0_i32_1 = arith.constant 0 : i32
    return %c0_i32, %c0_i32_0 : i32, i32
  }
  func.func @transform_4(%arg0: i32) -> (i32, i32, i32) {
    %c0_i32 = arith.constant 0 : i32
    %c0_i32_0 = arith.constant 0 : i32
    %c0_i32_1 = arith.constant 0 : i32
    return %c0_i32, %arg0, %c0_i32_0 : i32, i32, i32
  }
  func.func @transform_5(%arg0: i32) -> (i32, i32, i32) {
    %c0_i32 = arith.constant 0 : i32
    %c0_i32_0 = arith.constant 0 : i32
    %c0_i32_1 = arith.constant 0 : i32
    return %c0_i32, %arg0, %c0_i32_0 : i32, i32, i32
  }
}

</mosaic_0001>

<sc_bundles>
// kernel: kernel.6.cloned.1.call-start
scs
__scs_entry_jumppad:
0x0: {  	(pc) =	sbr.rel $0x88, $3  }
0x1: {  	(tag) =	ssettag $0x0;
	lr =	simm.s32 $0x1  }
0x2: {  	[smem:$0x3F9E] =	sst lr;
	_ =	strace $0xD0000000  }
0x3: {  	_ = 	snop  }
0x4: {  	_ = 	snop  }
0x5: {  	_ = 	snop  }
0x6: {  	_ = 	snop  }
0x7: {  	_ = 	snop  }
__scs_overlays_trampoline_lowered:
0x8: {  	[smem:$0x3FAD] =	sst s0  }
0x9: {  	[smem:$0x3FAE] =	sst s1  }
0xa: {  	[smem:$0x3FAF] =	sst s2  }
0xb: {  	[smem:$0x3FB0] =	sst s3  }
0xc: {  	[smem:$0x3FB1] =	sst s4  }
0xd: {  	[smem:$0x3FB2] =	sst s5  }
0xe: {  	[smem:$0x3FB3] =	sst s6  }
0xf: {  	[smem:$0x3FB4] =	sst s7  }
0x10: {  	[smem:$0x3FB5] =	sst s8  }
0x11: {  	[smem:$0x3FB6] =	sst s9;
	s0 =	simm.s32 @!p0 $0x0  }
0x12: {  	s1 =	sld [smem:$0x3F9C];
	s0 =	simm.s32 @p0 $0x1  }
0x13: {  	[smem:$0x3FB7] =	sst s0;
	s0 =	simm.s32 @!p1 $0x0  }
0x14: {  	s2 =	sld [smem:$0x3F9B];
	s0 =	simm.s32 @p1 $0x1  }
0x15: {  	[smem:$0x3FB8] =	sst s0;
	s0 =	simm.s32 @!p2 $0x0  }
0x16: {  	s3 =	sld [smem:$0x3FDB];
	s0 =	simm.s32 @p2 $0x1  }
0x17: {  	s4 =	simm.s32 $0x1BF5;
	[smem:$0x3FBA] =	sst s0  }
0x18: {  	s0 =	sld [smem:$0x3F9D];
	_ =	swait.ge [sflag:s4], $0x0  }
0x19: {  	s7 =	sld [smem:$0x3F9E]  }
0x1a: {  	s8 =	sadd.s32 $0xFFFFE003, lr  }
0x1b: {  	s9 =	sadd.s32 $0xFFFFFEF7, lr;
	s5 =	simm.s32 $0xFFFFFFFF;
	p2 =	slt.u32 s8, $0xFFFFF086  }
0x1c: {  	p1 =	slt.u32 s9, $0xF7A;
	s5 =	simm.s32 @!p2 $0x0  }
0x1d: {  	s5 =	simm.s32 @p1 $0x1;
	p0 =	seq.s32 s7, s2  }
0x1e: {  	s7 =	smul.u32 @!p0 $0xF7A, s2;
	p2 =	seq.s32 @!p0 s5, $0x0  }
0x1f: {  	s9 =	smul.u32 $0xF7A, s1;
	s8 =	simm.s32 @!p0 $0x1BF5;
	p2 =	por !p2, p0  }
0x20: {  	[sflag:s8] =	ssyncset.s32 @!p0 $0xFFFFF086;
	s6 =	sadd.s32 @!p0 s3, s7;
	s7 =	simm.s32 @!p0 $0x108  }
0x21: {  	s3 =	sadd.s32 s3, s9;
	s6 =	sadd.s32 @!p0 $0x88, s6;
	s7 =	simm.s32 @p2 $0x1082  }
0x22: {  	[simem:s7], [sflag:s8] =	dma.local @!p0 [hbm:s6], $0xF7A  }
0x23: {  	s9 =	sor.u32 $0xD0000000, s2;
	s6 =	simm.s32 $0x108;
	_ =	swait.ge @!p0 [sflag:s8], $0x0  }
0x24: {  	s3 =	sadd.s32 $0x88, s3;
	s6 =	simm.s32 @!p1 $0x1082;
	[sflag:s4] =	ssyncset.s32 $0xFFFFF086  }
0x25: {  	[simem:s6], [sflag:s4] =	dma.local [hbm:s3], $0xF7A  }
0x26: {  	[smem:$0x3F9E] =	sst s1;
	(tag) =	ssettag s2;
	_ =	strace s9  }
0x27: {  	s1 =	sld [smem:$0x3FAE]  }
0x28: {  	s2 =	sld [smem:$0x3FAF]  }
0x29: {  	s4 =	sld [smem:$0x3FB1]  }
0x2a: {  	p0 =	seq.s32 s5, $0x0;
	s5 =	sld [smem:$0x3FB2]  }
0x2b: {  	s6 =	sld [smem:$0x3FB3]  }
0x2c: {  	s7 =	sld [smem:$0x3FB4]  }
0x2d: {  	s3 =	simm.s32 $0x108;
	s8 =	sld [smem:$0x3FB5]  }
0x2e: {  	s3 =	simm.s32 @!p0 $0x1082;
	s9 =	sld [smem:$0x3FB6]  }
0x2f: {  	lr =	sadd.s32 s0, s3;
	s0 =	sld [smem:$0x3FAD]  }
0x30: {  	s3 =	sld [smem:$0x3FB0]  }
0x31: {  	[smem:$0x3FB9] =	sst s10  }
0x32: {  	s10 =	sld [smem:$0x3FB7];
	_ =	sdelay $0x3  }
0x33: {  	p0 =	seq.s32 s10, $0x1;
	s10 =	sld [smem:$0x3FB9];
	_ =	sdelay $0x3  }
0x34: {  	[smem:$0x3FB9] =	sst s10  }
0x35: {  	s10 =	sld [smem:$0x3FB8];
	_ =	sdelay $0x3  }
0x36: {  	p1 =	seq.s32 s10, $0x1;
	s10 =	sld [smem:$0x3FB9];
	_ =	sdelay $0x3  }
0x37: {  	[smem:$0x3FB9] =	sst s10  }
0x38: {  	s10 =	sld [smem:$0x3FBA]  }
0x39: {  	_ = 	snop;
	(pc) =	sbr.ind lr, $3  }
0x3a: {  	_ = 	snop  }
0x3b: {  	_ = 	snop  }
0x3c: {  	p2 =	seq.s32 s10, $0x1;
	s10 =	sld [smem:$0x3FB9]  }
0x3d: {  	_ =	shalt  }
0x3e: {  	_ =	shalt  }
0x3f: {  	_ =	shalt  }
0x40: {  	_ =	shalt  }
0x41: {  	_ =	shalt  }
0x42: {  	_ =	shalt  }
0x43: {  	_ =	shalt  }
0x44: {  	_ =	shalt  }
0x45: {  	_ =	shalt  }
0x46: {  	_ =	shalt  }
0x47: {  	_ =	shalt  }
0x48: {  	_ =	shalt  }
0x49: {  	_ =	shalt  }
0x4a: {  	_ =	shalt  }
0x4b: {  	_ =	shalt  }
0x4c: {  	_ =	shalt  }
0x4d: {  	_ =	shalt  }
0x4e: {  	_ =	shalt  }
0x4f: {  	_ =	shalt  }
0x50: {  	_ =	shalt  }
0x51: {  	_ =	shalt  }
0x52: {  	_ =	shalt  }
0x53: {  	_ =	shalt  }
0x54: {  	_ =	shalt  }
0x55: {  	_ =	shalt  }
0x56: {  	_ =	shalt  }
0x57: {  	_ =	shalt  }
0x58: {  	_ =	shalt  }
0x59: {  	_ =	shalt  }
0x5a: {  	_ =	shalt  }
0x5b: {  	_ =	shalt  }
0x5c: {  	_ =	shalt  }
0x5d: {  	_ =	shalt  }
0x5e: {  	_ =	shalt  }
0x5f: {  	_ =	shalt  }
0x60: {  	_ =	shalt  }
0x61: {  	_ =	shalt  }
0x62: {  	_ =	shalt  }
0x63: {  	_ =	shalt  }
0x64: {  	_ =	shalt  }
0x65: {  	_ =	shalt  }
0x66: {  	_ =	shalt  }
0x67: {  	_ =	shalt  }
0x68: {  	_ =	shalt  }
0x69: {  	_ =	shalt  }
0x6a: {  	_ =	shalt  }
0x6b: {  	_ =	shalt  }
0x6c: {  	_ =	shalt  }
0x6d: {  	_ =	shalt  }
0x6e: {  	_ =	shalt  }
0x6f: {  	_ =	shalt  }
0x70: {  	_ =	shalt  }
0x71: {  	_ =	shalt  }
0x72: {  	_ =	shalt  }
0x73: {  	_ =	shalt  }
0x74: {  	_ =	shalt  }
0x75: {  	_ =	shalt  }
0x76: {  	_ =	shalt  }
0x77: {  	_ =	shalt  }
0x78: {  	_ =	shalt  }
0x79: {  	_ =	shalt  }
0x7a: {  	_ =	shalt  }
0x7b: {  	_ =	shalt  }
0x7c: {  	_ =	shalt  }
0x7d: {  	_ =	shalt  }
0x7e: {  	_ =	shalt  }
0x7f: {  	_ =	shalt  }
0x80: {  	_ =	shalt  }
0x81: {  	_ =	shalt  }
0x82: {  	_ =	shalt  }
0x83: {  	_ =	shalt  }
0x84: {  	_ =	shalt  }
0x85: {  	_ =	shalt  }
0x86: {  	_ =	shalt  }
0x87: {  	_ =	shalt  }
.Lfunc_end0:
.L_simem_size_0:
called_computation_lowered:
.L_overlay_start_0:
0x88: {  	s2 =	sld [smem:$0x3FD9]  }
0x89: {  	s3 =	sld [smem:$0x3FFE];
	_ =	sdelay $0x1  }
0x8a: {  	s1 =	srdreg.scid  }
0x8b: {  	s0 =	sand.u32 $0x1, s1  }
0x8c: {  	s15 =	sshll.u32 s0, $0xA;
	s2 =	sadd.s32 s3, s2  }
0x8d: {  	s2 =	sadd.s32 s2, s15  }
0x8e: {  	[smem:$0x3FC5] =	sst s2  }
0x8f: {  	_ = 	snop  }
0x90: {  	s2 =	sld [smem:$0x3FD0];
	_ =	sdelay $0x2  }
0x91: {  	s16 =	simm.s32 $0xA;
	s4 =	simm.s32 $0x10  }
0x92: {  	[smem:s4], [sflag:s16] =	dma.local [hbm:s2], $0x1  }
0x93: {  	_ =	swait.eq [sflag:s16], $0x1  }
0x94: {  	[sflag:s16] =	ssyncset.done $0x0  }
0x95: {  	s17 =	sld [smem:$0x10];
	[sflag:s16] =	ssyncadd.s32 $0xFFFFFFFF  }
0x96: {  	s18 =	sld [smem:$0x11];
	(tm) =	ssettm $0x1  }
0x97: {  	s19 =	sld [smem:$0x3FFB];
	_ =	sdelay $0x3  }
0x98: {  	_ =	strace s19  }
0x99: {  	s4 =	sld [smem:$0x3FFC];
	_ =	sdelay $0x3  }
0x9a: {  	_ =	strace s4  }
0x9b: {  	s4 =	sld [smem:$0x3FFD];
	_ =	sdelay $0x3  }
0x9c: {  	_ =	strace s4  }
0x9d: {  	_ =	strace $0x8FFFFFFF  }
0x9e: {  	s20 =	sld [smem:$0x3FDB];
	_ =	sdelay $0x1  }
0x9f: {  	s5 =	simm.s32 $_scs_section_size  }
0xa0: {  	s6 =	simm.s32 $_size__tile_overlayer_lowered;
	s7 =	simm.s32 $_tile_overlayer_lowered  }
0xa1: {  	s23 =	simm.s32 $0x1BFF;
	s22 =	sshll.u32 s7, $0x1;
	s4 =	sadd.s32 s5, s20  }
0xa2: {  	s8 =	simm.s32 $0x0;
	s21 =	sshll.u32 s6, $0x1;
	s6 =	sadd.s32 s22, s4  }
0xa3: {  	[timem:s8], [sflag:s23] =	dma.local [hbm:s6], s21  }
0xa4: {  	_ =	swait.ge [sflag:s23], s21  }
0xa5: {  	s5 =	ssub.s32 $0x0, s21;
	[sflag:s23] =	ssyncset.done $0x0  }
0xa6: {  	[sflag:s23] =	ssyncadd.s32 s5;
	_ =	sdelay $0x1  }
0xa7: {  	s24 =	simm.s32 $0x1B8B  }
0xa8: {  	_ =	swait.ge [sflag:s24], $0x1  }
0xa9: {  	[sflag:s24] =	ssyncset.done $0x0  }
0xaa: {  	s25 =	simm.s32 $0x1B8E;
	[sflag:s24] =	ssyncadd.s32 $0xFFFFFFFF  }
0xab: {  	s26 =	simm.s32 $execute0_lowered;
	[smem:$0x3FD2] =	sst s25  }
0xac: {  	s5 =	sshll.u32 s26, $0x1;
	_ =	strace $0x80000046;
	[dreg:$0x1] =	wrdreg $0xFFFFFFFF  }
0xad: {  	s28 =	simm.s32 $_size_execute0_lowered;
	s4 =	sadd.s32 s4, s5;
	[dreg:$0x0] =	wrdreg $0x0  }
0xae: {  	s5 =	sshll.u32 s28, $0x1;
	[dreg:$0x2] =	wrdreg s4  }
0xaf: {  	[dreg:$0x3] =	wrdreg s5  }
0xb0: {  	[dreg:$0x4] =	wrdreg $0xC0  }
0xb1: {  	_ =	task [dreg:s8], $0x5FFFF  }
0xb2: {  	[dreg:$0x1] =	wrdreg $0xFFFFFFFF  }
0xb3: {  	[dreg:$0x0] =	wrdreg $0x60  }
0xb4: {  	[dreg:$0x2] =	wrdreg s18  }
0xb5: {  	[dreg:$0x3] =	wrdreg s17  }
0xb6: {  	[dreg:$0x4] =	wrdreg $0x2B000  }
0xb7: {  	[dreg:$0x5] =	wrdreg $0x9  }
0xb8: {  	_ =	task.clear_ibuf [dreg:s8], $0x6FFFF;
	_ =	strace $0x90000046  }
0xb9: {  	s29 =	simm.s32 $0x9;
	_ =	strace $0x80000048  }
0xba: {  	_ =	swait.ge [sflag:s29], $0x1  }
0xbb: {  	[sflag:s29] =	ssyncadd.s32 $0xFFFFFFFF  }
0xbc: {  	_ =	strace $0x90000048  }
0xbd: {  	_ =	sfence  }
0xbe: {  	s30 =	sld [smem:$0x0];
	_ =	sdelay $0x2  }
0xbf: {  	s31 =	sshll.u32 s1, $0xD;
	s1 =	sshrl.u32 s1, $0x2  }
0xc0: {  	s3 =	sand.u32 $0x4000, s31;
	s1 =	sadd.s32 s1, s30  }
0xc1: {  	s0 =	sor.u32 s3, s0;
	s1 =	sshll.u32 s1, $0x11  }
0xc2: {  	s0 =	sor.u32 s1, s0  }
0xc3: {  	s0 =	sadd.s32 $0x8F2B, s0  }
0xc4: {  	[sflag:s0] =	ssyncadd.remote.s32 $0x1  }
0xc5: {  	_ =	sfence.sel $0xFFFF  }
0xc6: {  	[dreg:$0x0] =	wrdreg $0xFFFFFFFF;
	(pc) =	sbr.abs _section_cstart, $3  }
0xc7: {  	[dreg:$0x1] =	wrdreg $0xFFFFFFFF  }
0xc8: {  	_ =	task.clear_ibuf [dreg:s8], $0x2FFFF;
	_ =	strace $0x9FFFFFFF  }
0xc9: {  	(tm) =	ssettm $0x7FFFFFFF  }
tec
execute0_lowered:
.L_overlay_start_1:
0x0: {  	(tag) =	ssettag $0x1  }
0x1: {  	s5 =	rddreg [dreg:$0x0]  }
0x2: {  	s6 =	rddreg [dreg:$0x1]  }
0x3: {  	s2 =	rddreg [dreg:$0x2]  }
0x4: {  	s0 =	rddreg [dreg:$0x3]  }
0x5: {  	s4 =	srdreg.scid;
	s1 =	stileid.u32  }
0x6: {  	s3 =	simm.s32 $0x0;
	s11 =	simm.s32 $0x2800;
	s12 =	simm.s32 $0x1  }
0x7: {  	s15 =	simm.s32 $0x0;
	s4 =	sand.u32 $0x1, s4;
	s7 =	smul.u32 $0x280, s1  }
0x8: {  	[smem:$0x7FF] =	sst s3;
	s13 =	sshll.u32 s1, $0x6;
	s8 =	sshll.u32 s4, $0x4  }
0x9: {  	s9 =	smul.u32 $0x2800, s4;
	_ =	strace $0x80000047;
	s4 =	ssub.s32 $0x2, s4  }
0xa: {  	s13 =	sor.u32 $0x1C02, s13;
	s8 =	sor.u32 s1, s8;
	s10 =	sshrl.u32 s4, $0x1  }
0xb: {  	s8 =	smul.u32 $0x500, s8;
	s9 =	sadd.s32 s7, s9;
	s10 =	ssub.s32 s4, s10  }
0xc: {  	s4 =	sadd.s32 s7, s2;
	s31 =	sshrl.u32 s9, $0x3;
	s7 =	smax.u32 s10, $0x1  }
0xd: {  	s9 =	simm.s32 $0x2;
	s10 =	simm.s32 $0x80;
	s14 =	sshrl.u32 s4, $0x3  }
0xe: {  	v0 =	vimm.f32 $1.000000000e+00;
	v1 =	vimm.f32 $0.0e+00;
	s5 =	sadd.s32 s5, s8;
	s6 =	sadd.s32 s6, s31;
	s8 =	simm.s32 $0x2880  }
.LBB2_1:
0xf: {  	[tilespmem:$0x2800] =	vst v0  }
0x10: {  	[tilespmem:$0x2810] =	vst v0  }
0x11: {  	[tilespmem:$0x2820] =	vst v0  }
0x12: {  	[tilespmem:$0x2830] =	vst v0  }
0x13: {  	[tilespmem:$0x2840] =	vst v0  }
0x14: {  	[tilespmem:$0x2850] =	vst v0  }
0x15: {  	[tilespmem:$0x2860] =	vst v0  }
0x16: {  	[tilespmem:$0x2870] =	vst v0  }
0x17: {  	[tilespmem:$0x2880] =	vst v1  }
0x18: {  	[tilespmem:$0x2890] =	vst v1  }
0x19: {  	[tilespmem:$0x28A0] =	vst v1  }
0x1a: {  	[tilespmem:$0x28B0] =	vst v1  }
0x1b: {  	[tilespmem:$0x28C0] =	vst v1  }
0x1c: {  	[tilespmem:$0x28D0] =	vst v1  }
0x1d: {  	[tilespmem:$0x28E0] =	vst v1  }
0x1e: {  	[tilespmem:$0x28F0] =	vst v1  }
0x1f: {  	[tilespmem:$0x2900] =	vst v1  }
0x20: {  	[tilespmem:$0x2910] =	vst v1  }
0x21: {  	[tilespmem:$0x2920] =	vst v1  }
0x22: {  	[tilespmem:$0x2930] =	vst v1  }
0x23: {  	[tilespmem:$0x2940] =	vst v1  }
0x24: {  	[tilespmem:$0x2950] =	vst v1  }
0x25: {  	[tilespmem:$0x2960] =	vst v1  }
0x26: {  	[tilespmem:$0x2970] =	vst v1  }
0x27: {  	[tilespmem:$0x2980] =	vst v1  }
0x28: {  	[tilespmem:$0x2990] =	vst v1  }
0x29: {  	[tilespmem:$0x29A0] =	vst v1  }
0x2a: {  	[tilespmem:$0x29B0] =	vst v1  }
0x2b: {  	[tilespmem:$0x29C0] =	vst v1  }
0x2c: {  	[tilespmem:$0x29D0] =	vst v1  }
0x2d: {  	[tilespmem:$0x29E0] =	vst v1  }
0x2e: {  	[tilespmem:$0x29F0] =	vst v1  }
0x2f: {  	[tilespmem:$0x2A00] =	vst v1  }
0x30: {  	[tilespmem:$0x2A10] =	vst v1  }
0x31: {  	[tilespmem:$0x2A20] =	vst v1  }
0x32: {  	[tilespmem:$0x2A30] =	vst v1  }
0x33: {  	[tilespmem:$0x2A40] =	vst v1  }
0x34: {  	[tilespmem:$0x2A50] =	vst v1  }
0x35: {  	[tilespmem:$0x2A60] =	vst v1  }
0x36: {  	[tilespmem:$0x2A70] =	vst v1  }
0x37: {  	[tilespmem:$0x2A80] =	vst v1  }
0x38: {  	[tilespmem:$0x2A90] =	vst v1  }
0x39: {  	[tilespmem:$0x2AA0] =	vst v1  }
0x3a: {  	[tilespmem:$0x2AB0] =	vst v1  }
0x3b: {  	[tilespmem:$0x2AC0] =	vst v1  }
0x3c: {  	[tilespmem:$0x2AD0] =	vst v1  }
0x3d: {  	[tilespmem:$0x2AE0] =	vst v1  }
0x3e: {  	[tilespmem:$0x2AF0] =	vst v1  }
0x3f: {  	[spmem:s4] =	stream.linear.scatter [tilespmem:s8], [sflag:$0x2], $0x280, $0x38;
	[tilespmem:$0x2D80] =	vst v63  }
0x40: {  	_ =	swait.ge [sflag:s9], $0x280  }
0x41: {  	[sflag:s9] =	ssyncset.done $0x0  }
0x42: {  	[sflag:s9] =	ssyncadd.s32 $0xFFFFFD80  }
0x43: {  	[tilespmem:s3], [sflag:$0x2] =	stream.linear.gather [hbm4b:s5+s3], $0x2800, $0x38;
	[tilespmem:$0x2D80] =	vst v63  }
0x44: {  	_ =	swait.ge [sflag:s9], $0x2800  }
0x45: {  	[sflag:s9] =	ssyncset.done $0x0  }
0x46: {  	[sflag:s9] =	ssyncadd.s32 $0xFFFFD800  }
0x47: {  	s16 =	simm.s32 $0x0;
	[bflag:$0x0] =	sbarrier.arrive $0xFFFF  }
0x48: {  	[spmem:s2] =	stream.indirect.scatter.add.f32 [tilespmem:s11], [sflag:$0x1], $0x1, s16, s10, $0xb8;
	[tilespmem:$0x2D80] =	vst v63  }
0x49: {  	s24 =	simm.s32 $0x80  }
0x4a: {  	[spmem:s2] =	stream.indirect.scatter.add.f32 [tilespmem:s11], [sflag:$0x1], $0x1, s24, s10, $0xb8;
	[tilespmem:$0x2D80] =	vst v63  }
0x4b: {  	s25 =	simm.s32 $0x100  }
0x4c: {  	[spmem:s2] =	stream.indirect.scatter.add.f32 [tilespmem:s11], [sflag:$0x1], $0x1, s25, s10, $0xb8;
	[tilespmem:$0x2D80] =	vst v63  }
0x4d: {  	s26 =	simm.s32 $0x180  }
0x4e: {  	[spmem:s2] =	stream.indirect.scatter.add.f32 [tilespmem:s11], [sflag:$0x1], $0x1, s26, s10, $0xb8;
	[tilespmem:$0x2D80] =	vst v63  }
0x4f: {  	s28 =	simm.s32 $0x200  }
0x50: {  	[spmem:s2] =	stream.indirect.scatter.add.f32 [tilespmem:s11], [sflag:$0x1], $0x1, s28, s10, $0xb8;
	[tilespmem:$0x2D80] =	vst v63  }
0x51: {  	s29 =	simm.s32 $0x280  }
0x52: {  	[spmem:s2] =	stream.indirect.scatter.add.f32 [tilespmem:s11], [sflag:$0x1], $0x1, s29, s10, $0xb8;
	[tilespmem:$0x2D80] =	vst v63  }
0x53: {  	s30 =	simm.s32 $0x300  }
0x54: {  	[spmem:s2] =	stream.indirect.scatter.add.f32 [tilespmem:s11], [sflag:$0x1], $0x1, s30, s10, $0xb8;
	[tilespmem:$0x2D80] =	vst v63  }
0x55: {  	s31 =	simm.s32 $0x380  }
0x56: {  	[spmem:s2] =	stream.indirect.scatter.add.f32 [tilespmem:s11], [sflag:$0x1], $0x1, s31, s10, $0xb8;
	[tilespmem:$0x2D80] =	vst v63  }
0x57: {  	_ =	swait.ge [sflag:s12], $0x80  }
0x58: {  	[sflag:s12] =	ssyncset.done $0x0  }
0x59: {  	[sflag:s12] =	ssyncadd.s32 $0xFFFFFF80  }
0x5a: {  	_ =	swait.ge [sflag:s12], $0x80  }
0x5b: {  	[sflag:s12] =	ssyncset.done $0x0  }
0x5c: {  	[sflag:s12] =	ssyncadd.s32 $0xFFFFFF80  }
0x5d: {  	_ =	swait.ge [sflag:s12], $0x80  }
0x5e: {  	[sflag:s12] =	ssyncset.done $0x0  }
0x5f: {  	[sflag:s12] =	ssyncadd.s32 $0xFFFFFF80  }
0x60: {  	_ =	swait.ge [sflag:s12], $0x80  }
0x61: {  	[sflag:s12] =	ssyncset.done $0x0  }
0x62: {  	[sflag:s12] =	ssyncadd.s32 $0xFFFFFF80  }
0x63: {  	_ =	swait.ge [sflag:s12], $0x80  }
0x64: {  	[sflag:s12] =	ssyncset.done $0x0  }
0x65: {  	[sflag:s12] =	ssyncadd.s32 $0xFFFFFF80  }
0x66: {  	_ =	swait.ge [sflag:s12], $0x80  }
0x67: {  	[sflag:s12] =	ssyncset.done $0x0  }
0x68: {  	[sflag:s12] =	ssyncadd.s32 $0xFFFFFF80  }
0x69: {  	_ =	swait.ge [sflag:s12], $0x80  }
0x6a: {  	[sflag:s12] =	ssyncset.done $0x0  }
0x6b: {  	[sflag:s12] =	ssyncadd.s32 $0xFFFFFF80  }
0x6c: {  	_ =	swait.ge [sflag:s12], $0x80  }
0x6d: {  	s18 =	simm.s32 $0x2000;
	s16 =	simm.s32 $0x1000;
	[sflag:s12] =	ssyncset.done $0x0  }
.LBB2_2:
0x6e: {  	s19 =	sshra.s32 s16, $0x2  }
0x6f: {  	[sflag:s12] =	ssyncadd.s32 $0xFFFFFF80;
	s16 =	smov.u32 s18;
	s17 =	sadd.s32 $0x1000, s18  }
0x70: {  	[spmem:s2] =	stream.indirect.scatter.add.f32 [tilespmem:s11], [sflag:$0x1], $0x1, s19, s10, $0xb8;
	[tilespmem:$0x2D80] =	vst v63  }
0x71: {  	p0 =	sne.s32 s18, $0x9000;
	s18 =	sadd.s32 $0x80, s19  }
0x72: {  	[spmem:s2] =	stream.indirect.scatter.add.f32 [tilespmem:s11], [sflag:$0x1], $0x1, s18, s10, $0xb8;
	[tilespmem:$0x2D80] =	vst v63  }
0x73: {  	s18 =	sadd.s32 $0x100, s19  }
0x74: {  	[spmem:s2] =	stream.indirect.scatter.add.f32 [tilespmem:s11], [sflag:$0x1], $0x1, s18, s10, $0xb8;
	[tilespmem:$0x2D80] =	vst v63  }
0x75: {  	s18 =	sadd.s32 $0x180, s19  }
0x76: {  	[spmem:s2] =	stream.indirect.scatter.add.f32 [tilespmem:s11], [sflag:$0x1], $0x1, s18, s10, $0xb8;
	[tilespmem:$0x2D80] =	vst v63  }
0x77: {  	s18 =	sadd.s32 $0x200, s19  }
0x78: {  	[spmem:s2] =	stream.indirect.scatter.add.f32 [tilespmem:s11], [sflag:$0x1], $0x1, s18, s10, $0xb8;
	[tilespmem:$0x2D80] =	vst v63  }
0x79: {  	s18 =	sadd.s32 $0x280, s19  }
0x7a: {  	[spmem:s2] =	stream.indirect.scatter.add.f32 [tilespmem:s11], [sflag:$0x1], $0x1, s18, s10, $0xb8;
	[tilespmem:$0x2D80] =	vst v63  }
0x7b: {  	s18 =	sadd.s32 $0x300, s19  }
0x7c: {  	[spmem:s2] =	stream.indirect.scatter.add.f32 [tilespmem:s11], [sflag:$0x1], $0x1, s18, s10, $0xb8;
	[tilespmem:$0x2D80] =	vst v63  }
0x7d: {  	s18 =	sadd.s32 $0x380, s19  }
0x7e: {  	[spmem:s2] =	stream.indirect.scatter.add.f32 [tilespmem:s11], [sflag:$0x1], $0x1, s18, s10, $0xb8;
	[tilespmem:$0x2D80] =	vst v63  }
0x7f: {  	_ =	swait.ge [sflag:s12], $0x80  }
0x80: {  	[sflag:s12] =	ssyncset.done $0x0  }
0x81: {  	[sflag:s12] =	ssyncadd.s32 $0xFFFFFF80  }
0x82: {  	_ =	swait.ge [sflag:s12], $0x80  }
0x83: {  	[sflag:s12] =	ssyncset.done $0x0  }
0x84: {  	[sflag:s12] =	ssyncadd.s32 $0xFFFFFF80  }
0x85: {  	_ =	swait.ge [sflag:s12], $0x80  }
0x86: {  	[sflag:s12] =	ssyncset.done $0x0  }
0x87: {  	[sflag:s12] =	ssyncadd.s32 $0xFFFFFF80  }
0x88: {  	_ =	swait.ge [sflag:s12], $0x80  }
0x89: {  	[sflag:s12] =	ssyncset.done $0x0  }
0x8a: {  	[sflag:s12] =	ssyncadd.s32 $0xFFFFFF80  }
0x8b: {  	_ =	swait.ge [sflag:s12], $0x80  }
0x8c: {  	[sflag:s12] =	ssyncset.done $0x0  }
0x8d: {  	[sflag:s12] =	ssyncadd.s32 $0xFFFFFF80  }
0x8e: {  	_ =	swait.ge [sflag:s12], $0x80  }
0x8f: {  	[sflag:s12] =	ssyncset.done $0x0  }
0x90: {  	[sflag:s12] =	ssyncadd.s32 $0xFFFFFF80  }
.Ltmp0:
0x91: {  	_ =	swait.ge [sflag:s12], $0x80;
	(pc) =	sbr.rel @p0 .LBB2_2-.Ltmp0, $4  }
0x92: {  	[sflag:s12] =	ssyncset.done $0x0  }
0x93: {  	[sflag:s12] =	ssyncadd.s32 $0xFFFFFF80  }
0x94: {  	_ =	swait.ge [sflag:s12], $0x80  }
0x95: {  	s18 =	smov.u32 s17;
	[sflag:s12] =	ssyncset.done $0x0  }
0x96: {  	s16 =	sshra.s32 s16, $0x2;
	[sflag:s12] =	ssyncadd.s32 $0xFFFFFF80  }
0x97: {  	[spmem:s2] =	stream.indirect.scatter.add.f32 [tilespmem:s11], [sflag:$0x1], $0x1, s16, s10, $0xb8;
	[tilespmem:$0x2D80] =	vst v63  }
0x98: {  	s17 =	sadd.s32 $0x80, s16  }
0x99: {  	[spmem:s2] =	stream.indirect.scatter.add.f32 [tilespmem:s11], [sflag:$0x1], $0x1, s17, s10, $0xb8;
	[tilespmem:$0x2D80] =	vst v63  }
0x9a: {  	s26 =	sadd.s32 $0x100, s16  }
0x9b: {  	[spmem:s2] =	stream.indirect.scatter.add.f32 [tilespmem:s11], [sflag:$0x1], $0x1, s26, s10, $0xb8;
	[tilespmem:$0x2D80] =	vst v63  }
0x9c: {  	s28 =	sadd.s32 $0x180, s16  }
0x9d: {  	[spmem:s2] =	stream.indirect.scatter.add.f32 [tilespmem:s11], [sflag:$0x1], $0x1, s28, s10, $0xb8;
	[tilespmem:$0x2D80] =	vst v63  }
0x9e: {  	s29 =	sadd.s32 $0x200, s16  }
0x9f: {  	[spmem:s2] =	stream.indirect.scatter.add.f32 [tilespmem:s11], [sflag:$0x1], $0x1, s29, s10, $0xb8;
	[tilespmem:$0x2D80] =	vst v63  }
0xa0: {  	s30 =	sadd.s32 $0x280, s16  }
0xa1: {  	[spmem:s2] =	stream.indirect.scatter.add.f32 [tilespmem:s11], [sflag:$0x1], $0x1, s30, s10, $0xb8;
	[tilespmem:$0x2D80] =	vst v63  }
0xa2: {  	s31 =	sadd.s32 $0x300, s16  }
0xa3: {  	[spmem:s2] =	stream.indirect.scatter.add.f32 [tilespmem:s11], [sflag:$0x1], $0x1, s31, s10, $0xb8;
	[tilespmem:$0x2D80] =	vst v63  }
0xa4: {  	s16 =	sadd.s32 $0x380, s16  }
0xa5: {  	[spmem:s2] =	stream.indirect.scatter.add.f32 [tilespmem:s11], [sflag:$0x1], $0x1, s16, s10, $0xb8;
	[tilespmem:$0x2D80] =	vst v63  }
0xa6: {  	_ =	swait.ge [sflag:s12], $0x80  }
0xa7: {  	[sflag:s12] =	ssyncset.done $0x0  }
0xa8: {  	[sflag:s12] =	ssyncadd.s32 $0xFFFFFF80  }
0xa9: {  	_ =	swait.ge [sflag:s12], $0x80  }
0xaa: {  	[sflag:s12] =	ssyncset.done $0x0  }
0xab: {  	[sflag:s12] =	ssyncadd.s32 $0xFFFFFF80  }
0xac: {  	_ =	swait.ge [sflag:s12], $0x80  }
0xad: {  	[sflag:s12] =	ssyncset.done $0x0  }
0xae: {  	[sflag:s12] =	ssyncadd.s32 $0xFFFFFF80  }
0xaf: {  	_ =	swait.ge [sflag:s12], $0x80  }
0xb0: {  	[sflag:s12] =	ssyncset.done $0x0  }
0xb1: {  	[sflag:s12] =	ssyncadd.s32 $0xFFFFFF80  }
0xb2: {  	_ =	swait.ge [sflag:s12], $0x80  }
0xb3: {  	[sflag:s12] =	ssyncset.done $0x0  }
0xb4: {  	[sflag:s12] =	ssyncadd.s32 $0xFFFFFF80  }
0xb5: {  	_ =	swait.ge [sflag:s12], $0x80  }
0xb6: {  	[sflag:s12] =	ssyncset.done $0x0  }
0xb7: {  	[sflag:s12] =	ssyncadd.s32 $0xFFFFFF80  }
0xb8: {  	_ =	swait.ge [sflag:s12], $0x80  }
0xb9: {  	[sflag:s12] =	ssyncset.done $0x0  }
0xba: {  	[sflag:s12] =	ssyncadd.s32 $0xFFFFFF80  }
0xbb: {  	_ =	swait.ge [sflag:s12], $0x80  }
0xbc: {  	s15 =	sadd.s32 $0x1, s15;
	[sflag:s12] =	ssyncset.done $0x0  }
0xbd: {  	p0 =	sne.s32 s15, s7;
	[sflag:s12] =	ssyncadd.s32 $0xFFFFFF80  }
.Ltmp1:
0xbe: {  	[bflag:$0x0] =	sbarrier.arrive $0xFFFF;
	(pc) =	sbr.rel @p0 .LBB2_1-.Ltmp1, $4  }
0xbf: {  	[hbm:s6], [sflag:s13] =	dma.local [spmem:s14], $0x50  }
0xc0: {  	_ =	swait.ge [sflag:s9], $0x50  }
0xc1: {  	[sflag:s9] =	ssyncset.done $0x0  }
0xc2: {  	[sflag:s9] =	ssyncadd.s32 $0xFFFFFFB0  }
0xc3: {  	_ =	sfence.sel $0x180000  }
0xc4: {  	[bflag:$0x0] =	sbarrier.arrive $0xFFFF  }
0xc5: {  	p0 =	sne.s32 s1, $0x0;
	_ =	strace $0x90000047  }
0xc6: {  	s0 =	sadd.s32 @!p0 $0x100000, s0;
	[bflag:$0x2] =	sbarrier.arrive $0xFFFF  }
0xc7: {  	[sflag:s0] =	ssyncadd.tile.s32 @!p0 $0x1;
	_ =	shalt  }
.Lfunc_end2:
_tile_overlayer_lowered:
.L_overlay_start_2:
0xc8: {  	(tag) =	ssettag $0x2  }
0xc9: {  	s0 =	rddreg [dreg:$0x0];
	s2 =	stileid.u32  }
0xca: {  	s1 =	rddreg [dreg:$0x1];
	p0 =	sne.s32 s2, $0x0  }
0xcb: {  	s3 =	rddreg [dreg:$0x2];
	[bflag:$0x3] =	sbarrier.arrive $0xFFFF;
	s2 =	simm.s32 @!p0 $0x1C02  }
0xcc: {  	[timem:s3], [sflag:s2] =	dma.local @!p0 [hbm:s0], s1  }
0xcd: {  	s0 =	simm.s32 @!p0 $0x2  }
0xce: {  	_ =	swait.ge @!p0 [sflag:s0], s1  }
0xcf: {  	s1 =	ssub.s32 @!p0 $0x0, s1;
	[sflag:s0] =	ssyncset.done @!p0 $0x0  }
0xd0: {  	[sflag:s0] =	ssyncadd.s32 @!p0 s1  }
0xd1: {  	[bflag:$0x3] =	sbarrier.arrive $0xFFFF  }
0xd2: {  	_ =	shalt  }

// kernel: kernel.9.cloned.1.call-start
scs
__scs_entry_jumppad:
0x0: {  	(pc) =	sbr.rel $0x88, $3  }
0x1: {  	(tag) =	ssettag $0x0;
	lr =	simm.s32 $0x1  }
0x2: {  	[smem:$0x3F9E] =	sst lr;
	_ =	strace $0xD0000000  }
0x3: {  	_ = 	snop  }
0x4: {  	_ = 	snop  }
0x5: {  	_ = 	snop  }
0x6: {  	_ = 	snop  }
0x7: {  	_ = 	snop  }
__scs_overlays_trampoline_lowered:
0x8: {  	[smem:$0x3FAD] =	sst s0  }
0x9: {  	[smem:$0x3FAE] =	sst s1  }
0xa: {  	[smem:$0x3FAF] =	sst s2  }
0xb: {  	[smem:$0x3FB0] =	sst s3  }
0xc: {  	[smem:$0x3FB1] =	sst s4  }
0xd: {  	[smem:$0x3FB2] =	sst s5  }
0xe: {  	[smem:$0x3FB3] =	sst s6  }
0xf: {  	[smem:$0x3FB4] =	sst s7  }
0x10: {  	[smem:$0x3FB5] =	sst s8  }
0x11: {  	[smem:$0x3FB6] =	sst s9;
	s0 =	simm.s32 @!p0 $0x0  }
0x12: {  	s1 =	sld [smem:$0x3F9C];
	s0 =	simm.s32 @p0 $0x1  }
0x13: {  	[smem:$0x3FB7] =	sst s0;
	s0 =	simm.s32 @!p1 $0x0  }
0x14: {  	s2 =	sld [smem:$0x3F9B];
	s0 =	simm.s32 @p1 $0x1  }
0x15: {  	[smem:$0x3FB8] =	sst s0;
	s0 =	simm.s32 @!p2 $0x0  }
0x16: {  	s3 =	sld [smem:$0x3FDB];
	s0 =	simm.s32 @p2 $0x1  }
0x17: {  	s4 =	simm.s32 $0x1BF5;
	[smem:$0x3FBA] =	sst s0  }
0x18: {  	s0 =	sld [smem:$0x3F9D];
	_ =	swait.ge [sflag:s4], $0x0  }
0x19: {  	s7 =	sld [smem:$0x3F9E]  }
0x1a: {  	s8 =	sadd.s32 $0xFFFFE003, lr  }
0x1b: {  	s9 =	sadd.s32 $0xFFFFFEF7, lr;
	s5 =	simm.s32 $0xFFFFFFFF;
	p2 =	slt.u32 s8, $0xFFFFF086  }
0x1c: {  	p1 =	slt.u32 s9, $0xF7A;
	s5 =	simm.s32 @!p2 $0x0  }
0x1d: {  	s5 =	simm.s32 @p1 $0x1;
	p0 =	seq.s32 s7, s2  }
0x1e: {  	s7 =	smul.u32 @!p0 $0xF7A, s2;
	p2 =	seq.s32 @!p0 s5, $0x0  }
0x1f: {  	s9 =	smul.u32 $0xF7A, s1;
	s8 =	simm.s32 @!p0 $0x1BF5;
	p2 =	por !p2, p0  }
0x20: {  	[sflag:s8] =	ssyncset.s32 @!p0 $0xFFFFF086;
	s6 =	sadd.s32 @!p0 s3, s7;
	s7 =	simm.s32 @!p0 $0x108  }
0x21: {  	s3 =	sadd.s32 s3, s9;
	s6 =	sadd.s32 @!p0 $0x88, s6;
	s7 =	simm.s32 @p2 $0x1082  }
0x22: {  	[simem:s7], [sflag:s8] =	dma.local @!p0 [hbm:s6], $0xF7A  }
0x23: {  	s9 =	sor.u32 $0xD0000000, s2;
	s6 =	simm.s32 $0x108;
	_ =	swait.ge @!p0 [sflag:s8], $0x0  }
0x24: {  	s3 =	sadd.s32 $0x88, s3;
	s6 =	simm.s32 @!p1 $0x1082;
	[sflag:s4] =	ssyncset.s32 $0xFFFFF086  }
0x25: {  	[simem:s6], [sflag:s4] =	dma.local [hbm:s3], $0xF7A  }
0x26: {  	[smem:$0x3F9E] =	sst s1;
	(tag) =	ssettag s2;
	_ =	strace s9  }
0x27: {  	s1 =	sld [smem:$0x3FAE]  }
0x28: {  	s2 =	sld [smem:$0x3FAF]  }
0x29: {  	s4 =	sld [smem:$0x3FB1]  }
0x2a: {  	p0 =	seq.s32 s5, $0x0;
	s5 =	sld [smem:$0x3FB2]  }
0x2b: {  	s6 =	sld [smem:$0x3FB3]  }
0x2c: {  	s7 =	sld [smem:$0x3FB4]  }
0x2d: {  	s3 =	simm.s32 $0x108;
	s8 =	sld [smem:$0x3FB5]  }
0x2e: {  	s3 =	simm.s32 @!p0 $0x1082;
	s9 =	sld [smem:$0x3FB6]  }
0x2f: {  	lr =	sadd.s32 s0, s3;
	s0 =	sld [smem:$0x3FAD]  }
0x30: {  	s3 =	sld [smem:$0x3FB0]  }
0x31: {  	[smem:$0x3FB9] =	sst s10  }
0x32: {  	s10 =	sld [smem:$0x3FB7];
	_ =	sdelay $0x3  }
0x33: {  	p0 =	seq.s32 s10, $0x1;
	s10 =	sld [smem:$0x3FB9];
	_ =	sdelay $0x3  }
0x34: {  	[smem:$0x3FB9] =	sst s10  }
0x35: {  	s10 =	sld [smem:$0x3FB8];
	_ =	sdelay $0x3  }
0x36: {  	p1 =	seq.s32 s10, $0x1;
	s10 =	sld [smem:$0x3FB9];
	_ =	sdelay $0x3  }
0x37: {  	[smem:$0x3FB9] =	sst s10  }
0x38: {  	s10 =	sld [smem:$0x3FBA]  }
0x39: {  	_ = 	snop;
	(pc) =	sbr.ind lr, $3  }
0x3a: {  	_ = 	snop  }
0x3b: {  	_ = 	snop  }
0x3c: {  	p2 =	seq.s32 s10, $0x1;
	s10 =	sld [smem:$0x3FB9]  }
0x3d: {  	_ =	shalt  }
0x3e: {  	_ =	shalt  }
0x3f: {  	_ =	shalt  }
0x40: {  	_ =	shalt  }
0x41: {  	_ =	shalt  }
0x42: {  	_ =	shalt  }
0x43: {  	_ =	shalt  }
0x44: {  	_ =	shalt  }
0x45: {  	_ =	shalt  }
0x46: {  	_ =	shalt  }
0x47: {  	_ =	shalt  }
0x48: {  	_ =	shalt  }
0x49: {  	_ =	shalt  }
0x4a: {  	_ =	shalt  }
0x4b: {  	_ =	shalt  }
0x4c: {  	_ =	shalt  }
0x4d: {  	_ =	shalt  }
0x4e: {  	_ =	shalt  }
0x4f: {  	_ =	shalt  }
0x50: {  	_ =	shalt  }
0x51: {  	_ =	shalt  }
0x52: {  	_ =	shalt  }
0x53: {  	_ =	shalt  }
0x54: {  	_ =	shalt  }
0x55: {  	_ =	shalt  }
0x56: {  	_ =	shalt  }
0x57: {  	_ =	shalt  }
0x58: {  	_ =	shalt  }
0x59: {  	_ =	shalt  }
0x5a: {  	_ =	shalt  }
0x5b: {  	_ =	shalt  }
0x5c: {  	_ =	shalt  }
0x5d: {  	_ =	shalt  }
0x5e: {  	_ =	shalt  }
0x5f: {  	_ =	shalt  }
0x60: {  	_ =	shalt  }
0x61: {  	_ =	shalt  }
0x62: {  	_ =	shalt  }
0x63: {  	_ =	shalt  }
0x64: {  	_ =	shalt  }
0x65: {  	_ =	shalt  }
0x66: {  	_ =	shalt  }
0x67: {  	_ =	shalt  }
0x68: {  	_ =	shalt  }
0x69: {  	_ =	shalt  }
0x6a: {  	_ =	shalt  }
0x6b: {  	_ =	shalt  }
0x6c: {  	_ =	shalt  }
0x6d: {  	_ =	shalt  }
0x6e: {  	_ =	shalt  }
0x6f: {  	_ =	shalt  }
0x70: {  	_ =	shalt  }
0x71: {  	_ =	shalt  }
0x72: {  	_ =	shalt  }
0x73: {  	_ =	shalt  }
0x74: {  	_ =	shalt  }
0x75: {  	_ =	shalt  }
0x76: {  	_ =	shalt  }
0x77: {  	_ =	shalt  }
0x78: {  	_ =	shalt  }
0x79: {  	_ =	shalt  }
0x7a: {  	_ =	shalt  }
0x7b: {  	_ =	shalt  }
0x7c: {  	_ =	shalt  }
0x7d: {  	_ =	shalt  }
0x7e: {  	_ =	shalt  }
0x7f: {  	_ =	shalt  }
0x80: {  	_ =	shalt  }
0x81: {  	_ =	shalt  }
0x82: {  	_ =	shalt  }
0x83: {  	_ =	shalt  }
0x84: {  	_ =	shalt  }
0x85: {  	_ =	shalt  }
0x86: {  	_ =	shalt  }
0x87: {  	_ =	shalt  }
.Lfunc_end0:
.L_simem_size_0:
called_computation.1_lowered:
.L_overlay_start_0:
0x88: {  	s2 =	sld [smem:$0x3FD9]  }
0x89: {  	s3 =	sld [smem:$0x3FFE];
	_ =	sdelay $0x1  }
0x8a: {  	s1 =	srdreg.scid  }
0x8b: {  	s0 =	sand.u32 $0x1, s1  }
0x8c: {  	s14 =	sshll.u32 s0, $0xA;
	s2 =	sadd.s32 s3, s2  }
0x8d: {  	s2 =	sadd.s32 s2, s14  }
0x8e: {  	[smem:$0x3FC5] =	sst s2  }
0x8f: {  	_ = 	snop  }
0x90: {  	s2 =	sld [smem:$0x3FD0];
	_ =	sdelay $0x2  }
0x91: {  	s15 =	simm.s32 $0xA;
	s4 =	simm.s32 $0x10  }
0x92: {  	[smem:s4], [sflag:s15] =	dma.local [hbm:s2], $0x1  }
0x93: {  	_ =	swait.eq [sflag:s15], $0x1  }
0x94: {  	[sflag:s15] =	ssyncset.done $0x0  }
0x95: {  	s16 =	sld [smem:$0x10];
	[sflag:s15] =	ssyncadd.s32 $0xFFFFFFFF  }
0x96: {  	s17 =	sld [smem:$0x11];
	(tm) =	ssettm $0x1  }
0x97: {  	s18 =	sld [smem:$0x3FFB];
	_ =	sdelay $0x3  }
0x98: {  	_ =	strace s18  }
0x99: {  	s4 =	sld [smem:$0x3FFC];
	_ =	sdelay $0x3  }
0x9a: {  	_ =	strace s4  }
0x9b: {  	s4 =	sld [smem:$0x3FFD];
	_ =	sdelay $0x3  }
0x9c: {  	_ =	strace s4  }
0x9d: {  	_ =	strace $0x8FFFFFFF  }
0x9e: {  	s19 =	sld [smem:$0x3FDB];
	_ =	sdelay $0x1  }
0x9f: {  	s5 =	simm.s32 $_scs_section_size  }
0xa0: {  	s6 =	simm.s32 $_size__tile_overlayer_lowered;
	s7 =	simm.s32 $_tile_overlayer_lowered  }
0xa1: {  	s22 =	simm.s32 $0x1BFF;
	s21 =	sshll.u32 s7, $0x1;
	s4 =	sadd.s32 s5, s19  }
0xa2: {  	s8 =	simm.s32 $0x0;
	s20 =	sshll.u32 s6, $0x1;
	s6 =	sadd.s32 s21, s4  }
0xa3: {  	[timem:s8], [sflag:s22] =	dma.local [hbm:s6], s20  }
0xa4: {  	_ =	swait.ge [sflag:s22], s20  }
0xa5: {  	s5 =	ssub.s32 $0x0, s20;
	[sflag:s22] =	ssyncset.done $0x0  }
0xa6: {  	[sflag:s22] =	ssyncadd.s32 s5;
	_ =	sdelay $0x1  }
0xa7: {  	s23 =	simm.s32 $0x1B8B  }
0xa8: {  	_ =	swait.ge [sflag:s23], $0x1  }
0xa9: {  	[sflag:s23] =	ssyncset.done $0x0  }
0xaa: {  	s25 =	simm.s32 $0x1B8E;
	s24 =	sld [smem:$0x3FFE];
	[sflag:s23] =	ssyncadd.s32 $0xFFFFFFFF  }
0xab: {  	s26 =	simm.s32 $execute0_lowered;
	[smem:$0x3FD2] =	sst s25  }
0xac: {  	s6 =	sshll.u32 s26, $0x1;
	_ =	strace $0x80000049;
	[dreg:$0x1] =	wrdreg $0xFFFFFFFF  }
0xad: {  	s28 =	simm.s32 $_size_execute0_lowered;
	s4 =	sadd.s32 s4, s6;
	[dreg:$0x0] =	wrdreg $0x0  }
0xae: {  	s6 =	sshll.u32 s28, $0x1;
	[dreg:$0x2] =	wrdreg s4  }
0xaf: {  	[dreg:$0x3] =	wrdreg s6  }
0xb0: {  	[dreg:$0x4] =	wrdreg $0xC0  }
0xb1: {  	_ =	task [dreg:s8], $0x5FFFF  }
0xb2: {  	[dreg:$0x1] =	wrdreg $0xFFFFFFFF  }
0xb3: {  	[dreg:$0x0] =	wrdreg $0x60  }
0xb4: {  	[dreg:$0x2] =	wrdreg s24  }
0xb5: {  	[dreg:$0x3] =	wrdreg s16  }
0xb6: {  	[dreg:$0x4] =	wrdreg s17  }
0xb7: {  	[dreg:$0x5] =	wrdreg $0x7C000  }
0xb8: {  	[dreg:$0x6] =	wrdreg $0x9  }
0xb9: {  	_ =	task.clear_ibuf [dreg:s8], $0x7FFFF;
	_ =	strace $0x90000049  }
0xba: {  	s29 =	simm.s32 $0x9;
	_ =	strace $0x8000004B  }
0xbb: {  	_ =	swait.ge [sflag:s29], $0x1  }
0xbc: {  	[sflag:s29] =	ssyncadd.s32 $0xFFFFFFFF  }
0xbd: {  	_ =	strace $0x9000004B  }
0xbe: {  	_ =	sfence  }
0xbf: {  	s30 =	sld [smem:$0x0];
	_ =	sdelay $0x2  }
0xc0: {  	s31 =	sshll.u32 s1, $0xD;
	s1 =	sshrl.u32 s1, $0x2  }
0xc1: {  	s3 =	sand.u32 $0x4000, s31;
	s1 =	sadd.s32 s1, s30  }
0xc2: {  	s0 =	sor.u32 s3, s0;
	s1 =	sshll.u32 s1, $0x11  }
0xc3: {  	s0 =	sor.u32 s1, s0  }
0xc4: {  	s0 =	sadd.s32 $0x8F2B, s0  }
0xc5: {  	[sflag:s0] =	ssyncadd.remote.s32 $0x1  }
0xc6: {  	_ =	sfence.sel $0xFFFF  }
0xc7: {  	[dreg:$0x0] =	wrdreg $0xFFFFFFFF;
	(pc) =	sbr.abs _section_cstart, $3  }
0xc8: {  	[dreg:$0x1] =	wrdreg $0xFFFFFFFF  }
0xc9: {  	_ =	task.clear_ibuf [dreg:s8], $0x2FFFF;
	_ =	strace $0x9FFFFFFF  }
0xca: {  	(tm) =	ssettm $0x7FFFFFFF  }
0xcb: {  	_ =	shalt  }
tec
execute0_lowered:
.L_overlay_start_1:
0x0: {  	(tag) =	ssettag $0x1  }
0x1: {  	s3 =	rddreg [dreg:$0x0]  }
0x2: {  	s8 =	rddreg [dreg:$0x1]  }
0x3: {  	s14 =	rddreg [dreg:$0x2]  }
0x4: {  	s1 =	rddreg [dreg:$0x3]  }
0x5: {  	s2 =	simm.s32 $0x0;
	s7 =	srdreg.scid;
	s19 =	simm.s32 $0x50  }
0x6: {  	s20 =	simm.s32 $0x400;
	s21 =	simm.s32 $0x80;
	s22 =	simm.s32 $0x280  }
0x7: {  	s23 =	simm.s32 $0x1;
	s24 =	simm.s32 $0x3;
	s25 =	simm.s32 $0x2  }
0x8: {  	s26 =	simm.s32 $0x0;
	[smem:$0x7FF] =	sst s2;
	s4 =	sadd.s32 $0x1200, s3  }
0x9: {  	s5 =	sadd.s32 $0xB000, s3;
	s6 =	sadd.s32 $0x64E00, s3;
	s3 =	stileid.u32  }
0xa: {  	s9 =	sand.u32 $0x1, s7;
	_ =	strace $0x8000004A;
	s10 =	smul.u32 $0x50000, s3  }
0xb: {  	s7 =	ssub.s32 $0x2, s9;
	s11 =	sshll.u32 s9, $0x4;
	s13 =	smul.u32 $0x14000, s3  }
0xc: {  	s29 =	smul.u32 $0x140000, s9;
	s30 =	sshll.u32 s3, $0x6;
	s12 =	sshrl.u32 s7, $0x1  }
0xd: {  	s11 =	sor.u32 s3, s11;
	s9 =	sor.u32 $0x1C04, s30;
	s15 =	ssub.s32 s7, s12  }
0xe: {  	s10 =	sshrl.u32 s10, $0x2;
	s7 =	smul.u32 $0x2710, s11;
	s28 =	sshrl.u32 s13, $0x3  }
0xf: {  	s13 =	sadd.s32 s13, s29;
	s16 =	sadd.s32 s10, s1;
	s8 =	sadd.s32 s8, s28  }
0x10: {  	s18 =	sshrl.u32 s13, $0x3;
	s15 =	smax.u32 s15, $0x1;
	s31 =	sshrl.u32 s7, $0x3  }
0x11: {  	s14 =	sadd.s32 s14, s18;
	s16 =	sshrl.u32 s16, $0x3;
	s18 =	simm.s32 $0x200  }
0x12: {  	s10 =	sadd.s32 s4, s31;
	s11 =	sadd.s32 s5, s31;
	s17 =	sadd.s32 $0xA, s31  }
0x13: {  	s12 =	sadd.s32 s4, s17;
	s13 =	sadd.s32 s5, s17;
	s17 =	simm.s32 $0x4  }
.LBB2_1:
0x14: {  	[spmem:s16], [sflag:s9] =	dma.local [hbm:s8], $0x2800  }
0x15: {  	_ =	swait.ge [sflag:s17], $0x2800  }
0x16: {  	[sflag:s17] =	ssyncset.done $0x0  }
0x17: {  	[sflag:s17] =	ssyncadd.s32 $0xFFFFD800  }
0x18: {  	[bflag:$0x0] =	sbarrier.arrive $0xFFFF  }
0x19: {  	[tilespmem:s2], [sflag:$0x4] =	stream.linear.gather [hbm4b:s10+s2], $0x50, $0x38;
	[tilespmem:$0x1BC00] =	vst v63  }
0x1a: {  	_ =	swait.ge [sflag:s17], $0x50  }
0x1b: {  	[sflag:s17] =	ssyncset.done $0x0  }
0x1c: {  	[sflag:s17] =	ssyncadd.s32 $0xFFFFFFB0  }
0x1d: {  	[tilespmem:s18], [sflag:$0x4] =	stream.linear.gather [hbm4b:s11+s2], $0x50, $0x38;
	[tilespmem:$0x1BC00] =	vst v63  }
0x1e: {  	_ =	swait.ge [sflag:s17], $0x50  }
0x1f: {  	[sflag:s17] =	ssyncset.done $0x0  }
0x20: {  	[sflag:s17] =	ssyncadd.s32 $0xFFFFFFB0  }
0x21: {  	[tilespmem:s20], [sflag:$0x1] =	stream.indirect.gather [hbm4b:s6+s19], $0x80, s2, s19, $0xb8;
	[tilespmem:$0x1BC00] =	vst v63  }
0x22: {  	_ = 	snop  }
0x23: {  	[tilespmem:s21], [sflag:$0x2] =	stream.linear.gather [hbm4b:s12+s2], $0x50, $0x38;
	[tilespmem:$0x1BC00] =	vst v63  }
0x24: {  	s29 =	simm.s32 $0x0  }
0x25: {  	[tilespmem:s22], [sflag:$0x2] =	stream.linear.gather [hbm4b:s13+s2], $0x50, $0x38;
	[tilespmem:$0x1BC00] =	vst v63  }
.LBB2_2:
0x26: {  	p0 =	slt.u32 s29, $0x2  }
0x27: {  	s28 =	simm.s32 @!p0 $0x3  }
0x28: {  	_ =	swait.ge @!p0 [sflag:s28], $0x2800  }
0x29: {  	p1 =	seq.s32 @!p0 s29, $0x7C;
	[sflag:s28] =	ssyncset.done @!p0 $0x0  }
0x2a: {  	p1 =	por p0, !p1;
	[sflag:s28] =	ssyncadd.s32 @!p0 $0xFFFFD800;
	s28 =	simm.s32 @!p0 $0x7D  }
0x2b: {  	s28 =	sadd.s32 @p1 $0x1, s29  }
0x2c: {  	s30 =	smul.u32 @p1 $0xAB, s28;
	_ =	sdelay $0x1  }
0x2d: {  	s30 =	sshrl.u32 @p1 s30, $0x9  }
0x2e: {  	s30 =	sand.u32 @p1 $0x7F, s30  }
0x2f: {  	s30 =	smul.u32 @p1 $0x3, s30;
	_ =	sdelay $0x1  }
0x30: {  	_ =	swait.ge @p1 [sflag:s25], $0x50;
	s30 =	ssub.s32 @p1 s28, s30  }
0x31: {  	[sflag:s25] =	ssyncset.done @p1 $0x0;
	s30 =	sand.u32 @p1 $0xFF, s30  }
0x32: {  	[sflag:s25] =	ssyncadd.s32 @p1 $0xFFFFFFB0;
	s30 =	smul.u32 @p1 $0xA000, s30  }
0x33: {  	_ =	swait.ge @p1 [sflag:s25], $0x50  }
0x34: {  	s31 =	sshll.u32 @p1 s28, $0x7;
	[sflag:s25] =	ssyncset.done @p1 $0x0;
	s30 =	sshrl.u32 @p1 s30, $0x2  }
0x35: {  	s31 =	sand.u32 @p1 $0x180, s31;
	[sflag:s25] =	ssyncadd.s32 @p1 $0xFFFFFFB0;
	s30 =	sor.u32 @p1 $0x400, s30  }
0x36: {  	[tilespmem:s30], [sflag:$0x1] =	stream.indirect.gather @p1 [hbm4b:s6+s19], $0x80, s31, s19, $0xb8;
	[tilespmem:$0x1BC00] =	vst v63  }
0x37: {  	s31 =	smul.u32 $0xAB, s29;
	_ =	sdelay $0x1  }
0x38: {  	s30 =	sshrl.u32 s31, $0x9  }
0x39: {  	s30 =	sand.u32 $0x7F, s30  }
0x3a: {  	s30 =	smul.u32 $0x3, s30  }
0x3b: {  	s0 =	sshll.u32 s29, $0x7;
	p0 =	sgt.u32 s29, $0x7A  }
0x3c: {  	_ =	swait.ge [sflag:s23], $0x2800;
	s30 =	ssub.s32 s29, s30;
	s29 =	sadd.s32 @!p0 $0x2, s29  }
0x3d: {  	s31 =	sand.u32 $0x180, s0;
	s30 =	sand.u32 $0xFF, s30;
	s0 =	smul.u32 @!p0 $0x50, s29  }
0x3e: {  	[sflag:s23] =	ssyncset.done $0x0;
	s30 =	smul.u32 $0xA000, s30  }
0x3f: {  	[sflag:s23] =	ssyncadd.s32 $0xFFFFD800  }
0x40: {  	s31 =	sor.u32 $0x200, s31;
	s0 =	sadd.s32 @!p0 s7, s0;
	s30 =	sshrl.u32 s30, $0x2  }
0x41: {  	s29 =	sshll.u32 @!p0 s29, $0x7;
	s0 =	sshrl.u32 @!p0 s0, $0x3;
	s30 =	sor.u32 $0x400, s30  }
0x42: {  	[spmem:s1] =	stream.indirect.scatter.add.f32 [tilespmem:s30], [sflag:$0x3], $0x80, s31, s19, $0xb8;
	[tilespmem:$0x1BC00] =	vst v63  }
0x43: {  	s29 =	sand.u32 @!p0 $0x180, s29;
	s30 =	sadd.s32 @!p0 s4, s0;
	s31 =	simm.s32 @!p0 $0x0  }
0x44: {  	[tilespmem:s29], [sflag:$0x2] =	stream.linear.gather @!p0 [hbm4b:s30+s31], $0x50, $0x38;
	[tilespmem:$0x1BC00] =	vst v63  }
0x45: {  	s0 =	sadd.s32 @!p0 s5, s0;
	s29 =	sor.u32 @!p0 $0x200, s29  }
0x46: {  	[tilespmem:s29], [sflag:$0x2] =	stream.linear.gather @!p0 [hbm4b:s0+s31], $0x50, $0x38;
	[tilespmem:$0x1BC00] =	vst v63  }
0x47: {  	p0 =	slt.u32 s28, $0x7D  }
.Ltmp0:
0x48: {  	_ = 	snop;
	(pc) =	sbr.rel @p0 .LBB2_2-.Ltmp0, $2  }
0x49: {  	_ =	sdelay $0x2  }
0x4a: {  	s29 =	smov.u32 s28  }
0x4b: {  	_ =	swait.ge [sflag:s24], $0x2800  }
0x4c: {  	[sflag:s24] =	ssyncset.done $0x0  }
0x4d: {  	[sflag:s24] =	ssyncadd.s32 $0xFFFFD800  }
0x4e: {  	_ =	swait.ge [sflag:s24], $0x2800  }
0x4f: {  	s26 =	sadd.s32 $0x1, s26;
	[sflag:s24] =	ssyncset.done $0x0  }
0x50: {  	p0 =	sne.s32 s26, s15;
	[sflag:s24] =	ssyncadd.s32 $0xFFFFD800  }
.Ltmp1:
0x51: {  	[bflag:$0x0] =	sbarrier.arrive $0xFFFF;
	(pc) =	sbr.rel @p0 .LBB2_1-.Ltmp1, $4  }
0x52: {  	[hbm:s14], [sflag:s9] =	dma.local [spmem:s16], $0x2800  }
0x53: {  	_ =	swait.ge [sflag:s17], $0x2800  }
0x54: {  	[sflag:s17] =	ssyncset.done $0x0  }
0x55: {  	[sflag:s17] =	ssyncadd.s32 $0xFFFFD800  }
0x56: {  	_ =	sfence.sel $0x180000  }
0x57: {  	[bflag:$0x0] =	sbarrier.arrive $0xFFFF  }
0x58: {  	_ =	strace $0x9000004A  }
0x59: {  	[bflag:$0x2] =	sbarrier.arrive $0xFFFF  }
0x5a: {  	p0 =	sne.s32 s3, $0x0;
	s0 =	rddreg [dreg:$0x4]  }
0x5b: {  	s0 =	sadd.s32 @!p0 $0x100000, s0  }
0x5c: {  	[sflag:s0] =	ssyncadd.tile.s32 @!p0 $0x1;
	_ =	shalt  }
.Lfunc_end2:
_tile_overlayer_lowered:
.L_overlay_start_2:
0x5d: {  	(tag) =	ssettag $0x2  }
0x5e: {  	s0 =	rddreg [dreg:$0x0];
	s2 =	stileid.u32  }
0x5f: {  	s1 =	rddreg [dreg:$0x1];
	p0 =	sne.s32 s2, $0x0  }
0x60: {  	s3 =	rddreg [dreg:$0x2];
	[bflag:$0x3] =	sbarrier.arrive $0xFFFF;
	s2 =	simm.s32 @!p0 $0x1C04  }
0x61: {  	[timem:s3], [sflag:s2] =	dma.local @!p0 [hbm:s0], s1  }
0x62: {  	s0 =	simm.s32 @!p0 $0x4  }
0x63: {  	_ =	swait.ge @!p0 [sflag:s0], s1  }
0x64: {  	s1 =	ssub.s32 @!p0 $0x0, s1;
	[sflag:s0] =	ssyncset.done @!p0 $0x0  }
0x65: {  	[sflag:s0] =	ssyncadd.s32 @!p0 s1  }
0x66: {  	[bflag:$0x3] =	sbarrier.arrive $0xFFFF  }
0x67: {  	_ =	shalt  }

</sc_bundles>
